<compile_context>
chip_gen: v7x
topology: tpu7x:2x2x1
jax: 0.10.2.dev20260603
libtpu: 0.0.44.dev20260713+nightly
codegen_flags: <defaults>
</compile_context>

<pallas_src>
import functools

import jax
import jax.numpy as jnp
from jax import lax
from jax.experimental import pallas as pl
from jax.experimental.pallas import tpu as pltpu
from jax.experimental.pallas import tpu_sc as plsc

NCLUSTER = 512
NB_SC = 4
PTS = 2048
NW = 32


def _sc_body(x0_hbm, x1_hbm, x2_hbm, w0_hbm, w1_hbm, w2_hbm, w3_hbm,
             out_hbm, xv0, xv1, xv2, w0v, w1v, w2v, w3v, ov):
    ppw = x0_hbm.shape[0] // NW
    wid = lax.axis_index("s") * 2 + lax.axis_index("c")
    pltpu.sync_copy(w0_hbm, w0v)
    pltpu.sync_copy(w1_hbm, w1v)
    pltpu.sync_copy(w2_hbm, w2v)
    pltpu.sync_copy(w3_hbm, w3v)
    pltpu.sync_copy(x0_hbm.at[pl.ds(wid * ppw, ppw)], xv0)
    pltpu.sync_copy(x1_hbm.at[pl.ds(wid * ppw, ppw)], xv1)
    pltpu.sync_copy(x2_hbm.at[pl.ds(wid * ppw, ppw)], xv2)

    def quad(q, carry):
        xp = [
            (
                xv0[pl.ds(q * 64 + g * 16, 16)],
                xv1[pl.ds(q * 64 + g * 16, 16)],
                xv2[pl.ds(q * 64 + g * 16, 16)],
            )
            for g in range(4)
        ]

        def cl(k, bb):
            bests, bidxs = bb
            w0 = w0v[pl.ds(k * 16, 16)]
            w1 = w1v[pl.ds(k * 16, 16)]
            w2 = w2v[pl.ds(k * 16, 16)]
            cns = w3v[pl.ds(k * 16, 16)]
            nb, ni = [], []
            for g in range(4):
                xp0, xp1, xp2 = xp[g]
                s = ((cns + w0 * xp0) + w1 * xp1) + w2 * xp2
                m = s < bests[g]
                nb.append(jnp.where(m, s, bests[g]))
                ni.append(jnp.where(m, k, bidxs[g]))
            return tuple(nb), tuple(ni)

        inf = jnp.full((16,), jnp.inf, jnp.float32)
        zero = jnp.zeros((16,), jnp.int32)
        _, bidxs = lax.fori_loop(
            0, NCLUSTER, cl, ((inf,) * 4, (zero,) * 4), unroll=4
        )
        for g in range(4):
            ov[pl.ds(q * 64 + g * 16, 16)] = bidxs[g]
        return carry

    lax.fori_loop(0, ppw // 64, quad, 0)
    pltpu.sync_copy(ov, out_hbm.at[pl.ds(wid * ppw, ppw)])


def _sc_assign(xr_sc, wbc):
    nb, _, hw = xr_sc.shape
    n = nb * hw
    x0f = xr_sc[:, 0, :].reshape(n)
    x1f = xr_sc[:, 1, :].reshape(n)
    x2f = xr_sc[:, 2, :].reshape(n)
    ppw = n // NW
    mesh = plsc.VectorSubcoreMesh(core_axis_name="c", subcore_axis_name="s")
    fn = functools.partial(
        pl.kernel,
        mesh=mesh,
        out_type=jax.ShapeDtypeStruct((n,), jnp.int32),
        scratch_types=[
            pltpu.VMEM((ppw,), jnp.float32),
            pltpu.VMEM((ppw,), jnp.float32),
            pltpu.VMEM((ppw,), jnp.float32),
            pltpu.VMEM((NCLUSTER * 16,), jnp.float32),
            pltpu.VMEM((NCLUSTER * 16,), jnp.float32),
            pltpu.VMEM((NCLUSTER * 16,), jnp.float32),
            pltpu.VMEM((NCLUSTER * 16,), jnp.float32),
            pltpu.VMEM((ppw,), jnp.int32),
        ],
    )(_sc_body)
    return fn(x0f, x1f, x2f, wbc[0], wbc[1], wbc[2], wbc[3])


def _tc_body(x_ref, w_ref, out_ref):
    x0 = x_ref[0, 0:1, :]
    x1 = x_ref[0, 1:2, :]
    x2 = x_ref[0, 2:3, :]
    w0 = w_ref[:, 0:1]
    w1 = w_ref[:, 1:2]
    w2 = w_ref[:, 2:3]
    cn = w_ref[:, 3:4]
    s = ((cn + w0 * x0) + w1 * x1) + w2 * x2
    a = jnp.argmin(s, axis=0).astype(jnp.int32)
    out_ref[0, 0, 0, :] = a


def _tc_assign(xr_tc, wc4):
    nb, c, hw = xr_tc.shape
    nj = hw // PTS
    out = pl.pallas_call(
        _tc_body,
        grid=(nb, nj),
        in_specs=[
            pl.BlockSpec((1, c, PTS), lambda i, j: (i, 0, j)),
            pl.BlockSpec((NCLUSTER, c + 1), lambda i, j: (0, 0)),
        ],
        out_specs=pl.BlockSpec((1, 1, 1, PTS), lambda i, j: (i, j, 0, 0)),
        out_shape=jax.ShapeDtypeStruct((nb, nj, 1, PTS), jnp.int32),
    )(xr_tc, wc4)
    return out.reshape(nb, hw)


def kernel(x, C):
    bs, c, h, w = x.shape
    hw = h * w
    xr = x.reshape(bs, c, hw)
    wc = jnp.concatenate(
        [-2.0 * C.T, (C * C).sum(1, keepdims=True).T], axis=0
    )
    wbc = jnp.broadcast_to(wc[:, :, None], (4, NCLUSTER, 16)).reshape(
        4, NCLUSTER * 16
    )
    out_sc = _sc_assign(xr[:NB_SC], wbc).reshape(NB_SC, hw)
    out_tc = _tc_assign(xr[NB_SC:], wc.T)
    return jnp.concatenate([out_sc, out_tc], axis=0)

# --- scband reference (transcript-rebuilt; emitter-appended) ---
"""Pipeline reference for scband-kmeans-3161095930011 (READ-ONLY COPY).

The authoritative reference and input builder live on the scoring server;
editing this copy changes nothing except your own understanding.
"""

import jax, jax.numpy as jnp
import numpy as np

NCLUSTER = 512
NC = 3

def setup_inputs(seed: int = 0) -> dict:
    key = jax.random.key(seed)
    k1, k2 = jax.random.split(key)
    x = jax.random.normal(k1, (16, NC, 64, 64), dtype=jnp.float32)
    # learned/registered buffer: codebook C of shape [ncluster, nc]
    C = jax.random.normal(k2, (NCLUSTER, NC), dtype=jnp.float32)
    return {"x": x, "C": C}

def reference(x, C):
    # Faithful translation of KMeans.forward(x, reverse=False):
    #   x: [bs, c, h, w] -> a: int[bs, h*w] nearest-codebook indices
    bs, c, h, w = x.shape
    xr = x.reshape(bs, c, h * w, 1)
    Cr = jnp.transpose(C, (1, 0)).reshape(1, c, 1, C.shape[0])
    d = ((xr - Cr) ** 2).sum(1)          # [bs, h*w, ncluster]
    a = jnp.argmin(d, axis=-1)           # [bs, h*w]
    return a

if __name__ == "__main__":
    import jax
    _d = setup_inputs()
    print(jax.jit(kernel)(*tuple(_d.values())))

</pallas_src>

<mosaic_0001>
#map = affine_map<(d0, d1) -> (0)>
module attributes {stable_mosaic.version = 14 : i64} {
  func.func @_sc_body(%arg0: i32, %arg1: i32, %arg2: memref<16384xf32, #tpu.memory_space<hbm>>, %arg3: memref<16384xf32, #tpu.memory_space<hbm>>, %arg4: memref<16384xf32, #tpu.memory_space<hbm>>, %arg5: memref<8192xf32, #tpu.memory_space<hbm>>, %arg6: memref<8192xf32, #tpu.memory_space<hbm>>, %arg7: memref<8192xf32, #tpu.memory_space<hbm>>, %arg8: memref<8192xf32, #tpu.memory_space<hbm>>, %arg9: memref<16384xi32, #tpu.memory_space<hbm>>, %arg10: memref<512xf32, #tpu.memory_space<vmem>>, %arg11: memref<512xf32, #tpu.memory_space<vmem>>, %arg12: memref<512xf32, #tpu.memory_space<vmem>>, %arg13: memref<8192xf32, #tpu.memory_space<vmem>>, %arg14: memref<8192xf32, #tpu.memory_space<vmem>>, %arg15: memref<8192xf32, #tpu.memory_space<vmem>>, %arg16: memref<8192xf32, #tpu.memory_space<vmem>>, %arg17: memref<512xi32, #tpu.memory_space<vmem>>) attributes {dimension_semantics = [#tpu.dimension_semantics<core_parallel>, #tpu.dimension_semantics<subcore_parallel>], iteration_bounds = array<i64: 2, 16>, scalar_prefetch = 0 : i64, scratch_operands = 8 : i64, tpu.core_type = #tpu.core_type<sc_vector_subcore>, window_params = [{transform_indices = #map}, {transform_indices = #map}, {transform_indices = #map}, {transform_indices = #map}, {transform_indices = #map}, {transform_indices = #map}, {transform_indices = #map}, {transform_indices = #map}]} {
    %mul3A = arith.constant 2 : i32
    %mul3A_0 = arith.muli %arg1, %mul3A : i32
    %add3A = arith.addi %mul3A_0, %arg0 : i32
    "tpu.region"() ({
      %run_scoped3A = tpu.sem_alloc : memref<!tpu.dma_semaphore, #tpu.memory_space<semaphore_mem>>
      tpu.enqueue_dma source(%arg5 : memref<8192xf32, #tpu.memory_space<hbm>>) target(%arg13 : memref<8192xf32, #tpu.memory_space<vmem>>) target_semaphore(%run_scoped3A : memref<!tpu.dma_semaphore, #tpu.memory_space<semaphore_mem>>)
      tpu.wait_dma2 semaphore(%run_scoped3A : memref<!tpu.dma_semaphore, #tpu.memory_space<semaphore_mem>>) src(%arg5 : memref<8192xf32, #tpu.memory_space<hbm>>) dst(%arg13 : memref<8192xf32, #tpu.memory_space<vmem>>)
      tpu.yield
    }) : () -> ()
    "tpu.region"() ({
      %run_scoped3A = tpu.sem_alloc : memref<!tpu.dma_semaphore, #tpu.memory_space<semaphore_mem>>
      tpu.enqueue_dma source(%arg6 : memref<8192xf32, #tpu.memory_space<hbm>>) target(%arg14 : memref<8192xf32, #tpu.memory_space<vmem>>) target_semaphore(%run_scoped3A : memref<!tpu.dma_semaphore, #tpu.memory_space<semaphore_mem>>)
      tpu.wait_dma2 semaphore(%run_scoped3A : memref<!tpu.dma_semaphore, #tpu.memory_space<semaphore_mem>>) src(%arg6 : memref<8192xf32, #tpu.memory_space<hbm>>) dst(%arg14 : memref<8192xf32, #tpu.memory_space<vmem>>)
      tpu.yield
    }) : () -> ()
    "tpu.region"() ({
      %run_scoped3A = tpu.sem_alloc : memref<!tpu.dma_semaphore, #tpu.memory_space<semaphore_mem>>
      tpu.enqueue_dma source(%arg7 : memref<8192xf32, #tpu.memory_space<hbm>>) target(%arg15 : memref<8192xf32, #tpu.memory_space<vmem>>) target_semaphore(%run_scoped3A : memref<!tpu.dma_semaphore, #tpu.memory_space<semaphore_mem>>)
      tpu.wait_dma2 semaphore(%run_scoped3A : memref<!tpu.dma_semaphore, #tpu.memory_space<semaphore_mem>>) src(%arg7 : memref<8192xf32, #tpu.memory_space<hbm>>) dst(%arg15 : memref<8192xf32, #tpu.memory_space<vmem>>)
      tpu.yield
    }) : () -> ()
    "tpu.region"() ({
      %run_scoped3A = tpu.sem_alloc : memref<!tpu.dma_semaphore, #tpu.memory_space<semaphore_mem>>
      tpu.enqueue_dma source(%arg8 : memref<8192xf32, #tpu.memory_space<hbm>>) target(%arg16 : memref<8192xf32, #tpu.memory_space<vmem>>) target_semaphore(%run_scoped3A : memref<!tpu.dma_semaphore, #tpu.memory_space<semaphore_mem>>)
      tpu.wait_dma2 semaphore(%run_scoped3A : memref<!tpu.dma_semaphore, #tpu.memory_space<semaphore_mem>>) src(%arg8 : memref<8192xf32, #tpu.memory_space<hbm>>) dst(%arg16 : memref<8192xf32, #tpu.memory_space<vmem>>)
      tpu.yield
    }) : () -> ()
    %mul3A_1 = arith.constant 512 : i32
    %mul3A_2 = arith.muli %add3A, %mul3A_1 : i32
    "tpu.region"() ({
      %run_scoped3A = tpu.sem_alloc : memref<!tpu.dma_semaphore, #tpu.memory_space<semaphore_mem>>
      %dma_start3A = tpu.memref_slice %arg2[%mul3A_2] : memref<16384xf32, #tpu.memory_space<hbm>> -> memref<512xf32, #tpu.memory_space<hbm>>
      %dma_start3A_14 = tpu.memref_slice %arg2[%mul3A_2] : memref<16384xf32, #tpu.memory_space<hbm>> -> memref<512xf32, #tpu.memory_space<hbm>>
      tpu.enqueue_dma source(%dma_start3A_14 : memref<512xf32, #tpu.memory_space<hbm>>) target(%arg10 : memref<512xf32, #tpu.memory_space<vmem>>) target_semaphore(%run_scoped3A : memref<!tpu.dma_semaphore, #tpu.memory_space<semaphore_mem>>)
      %dma_wait3A = tpu.memref_slice %arg2[%mul3A_2] : memref<16384xf32, #tpu.memory_space<hbm>> -> memref<512xf32, #tpu.memory_space<hbm>>
      %dma_wait3A_15 = tpu.memref_slice %arg2[%mul3A_2] : memref<16384xf32, #tpu.memory_space<hbm>> -> memref<512xf32, #tpu.memory_space<hbm>>
      tpu.wait_dma2 semaphore(%run_scoped3A : memref<!tpu.dma_semaphore, #tpu.memory_space<semaphore_mem>>) src(%dma_wait3A_15 : memref<512xf32, #tpu.memory_space<hbm>>) dst(%arg10 : memref<512xf32, #tpu.memory_space<vmem>>)
      tpu.yield
    }) : () -> ()
    %mul3A_3 = arith.constant 512 : i32
    %mul3A_4 = arith.muli %add3A, %mul3A_3 : i32
    "tpu.region"() ({
      %run_scoped3A = tpu.sem_alloc : memref<!tpu.dma_semaphore, #tpu.memory_space<semaphore_mem>>
      %dma_start3A = tpu.memref_slice %arg3[%mul3A_4] : memref<16384xf32, #tpu.memory_space<hbm>> -> memref<512xf32, #tpu.memory_space<hbm>>
      %dma_start3A_14 = tpu.memref_slice %arg3[%mul3A_4] : memref<16384xf32, #tpu.memory_space<hbm>> -> memref<512xf32, #tpu.memory_space<hbm>>
      tpu.enqueue_dma source(%dma_start3A_14 : memref<512xf32, #tpu.memory_space<hbm>>) target(%arg11 : memref<512xf32, #tpu.memory_space<vmem>>) target_semaphore(%run_scoped3A : memref<!tpu.dma_semaphore, #tpu.memory_space<semaphore_mem>>)
      %dma_wait3A = tpu.memref_slice %arg3[%mul3A_4] : memref<16384xf32, #tpu.memory_space<hbm>> -> memref<512xf32, #tpu.memory_space<hbm>>
      %dma_wait3A_15 = tpu.memref_slice %arg3[%mul3A_4] : memref<16384xf32, #tpu.memory_space<hbm>> -> memref<512xf32, #tpu.memory_space<hbm>>
      tpu.wait_dma2 semaphore(%run_scoped3A : memref<!tpu.dma_semaphore, #tpu.memory_space<semaphore_mem>>) src(%dma_wait3A_15 : memref<512xf32, #tpu.memory_space<hbm>>) dst(%arg11 : memref<512xf32, #tpu.memory_space<vmem>>)
      tpu.yield
    }) : () -> ()
    %mul3A_5 = arith.constant 512 : i32
    %mul3A_6 = arith.muli %add3A, %mul3A_5 : i32
    "tpu.region"() ({
      %run_scoped3A = tpu.sem_alloc : memref<!tpu.dma_semaphore, #tpu.memory_space<semaphore_mem>>
      %dma_start3A = tpu.memref_slice %arg4[%mul3A_6] : memref<16384xf32, #tpu.memory_space<hbm>> -> memref<512xf32, #tpu.memory_space<hbm>>
      %dma_start3A_14 = tpu.memref_slice %arg4[%mul3A_6] : memref<16384xf32, #tpu.memory_space<hbm>> -> memref<512xf32, #tpu.memory_space<hbm>>
      tpu.enqueue_dma source(%dma_start3A_14 : memref<512xf32, #tpu.memory_space<hbm>>) target(%arg12 : memref<512xf32, #tpu.memory_space<vmem>>) target_semaphore(%run_scoped3A : memref<!tpu.dma_semaphore, #tpu.memory_space<semaphore_mem>>)
      %dma_wait3A = tpu.memref_slice %arg4[%mul3A_6] : memref<16384xf32, #tpu.memory_space<hbm>> -> memref<512xf32, #tpu.memory_space<hbm>>
      %dma_wait3A_15 = tpu.memref_slice %arg4[%mul3A_6] : memref<16384xf32, #tpu.memory_space<hbm>> -> memref<512xf32, #tpu.memory_space<hbm>>
      tpu.wait_dma2 semaphore(%run_scoped3A : memref<!tpu.dma_semaphore, #tpu.memory_space<semaphore_mem>>) src(%dma_wait3A_15 : memref<512xf32, #tpu.memory_space<hbm>>) dst(%arg12 : memref<512xf32, #tpu.memory_space<vmem>>)
      tpu.yield
    }) : () -> ()
    %scan3A = arith.constant 0 : i32
    %scan3A_7 = arith.constant 0 : i32
    %scan3A_8 = arith.constant 8 : i32
    %scan3A_9 = arith.addi %scan3A_7, %scan3A_8 : i32
    %scan3A_10 = arith.constant 1 : i32
    scf.for %scan3A_14 = %scan3A_7 to %scan3A_9 step %scan3A_10  : i32 {
      %mul3A_15 = arith.constant 64 : i32
      %mul3A_16 = arith.muli %scan3A_14, %mul3A_15 : i32
      %add3A_17 = arith.constant 0 : i32
      %add3A_18 = arith.addi %mul3A_16, %add3A_17 : i32
      %get3A = arith.index_cast %add3A_18 : i32 to index
      %get3A_19 = tpu.vector_load %arg10[%get3A] {strides = array<i32>} : memref<512xf32, #tpu.memory_space<vmem>>, vector<16xf32>,
      %get3A_20 = vector.shape_cast %get3A_19 : vector<16xf32> to vector<16xf32>
      %mul3A_21 = arith.constant 64 : i32
      %mul3A_22 = arith.muli %scan3A_14, %mul3A_21 : i32
      %add3A_23 = arith.constant 0 : i32
      %add3A_24 = arith.addi %mul3A_22, %add3A_23 : i32
      %get3A_25 = arith.index_cast %add3A_24 : i32 to index
      %get3A_26 = tpu.vector_load %arg11[%get3A_25] {strides = array<i32>} : memref<512xf32, #tpu.memory_space<vmem>>, vector<16xf32>,
      %get3A_27 = vector.shape_cast %get3A_26 : vector<16xf32> to vector<16xf32>
      %mul3A_28 = arith.constant 64 : i32
      %mul3A_29 = arith.muli %scan3A_14, %mul3A_28 : i32
      %add3A_30 = arith.constant 0 : i32
      %add3A_31 = arith.addi %mul3A_29, %add3A_30 : i32
      %get3A_32 = arith.index_cast %add3A_31 : i32 to index
      %get3A_33 = tpu.vector_load %arg12[%get3A_32] {strides = array<i32>} : memref<512xf32, #tpu.memory_space<vmem>>, vector<16xf32>,
      %get3A_34 = vector.shape_cast %get3A_33 : vector<16xf32> to vector<16xf32>
      %mul3A_35 = arith.constant 64 : i32
      %mul3A_36 = arith.muli %scan3A_14, %mul3A_35 : i32
      %add3A_37 = arith.constant 16 : i32
      %add3A_38 = arith.addi %mul3A_36, %add3A_37 : i32
      %get3A_39 = arith.index_cast %add3A_38 : i32 to index
      %get3A_40 = tpu.vector_load %arg10[%get3A_39] {strides = array<i32>} : memref<512xf32, #tpu.memory_space<vmem>>, vector<16xf32>,
      %get3A_41 = vector.shape_cast %get3A_40 : vector<16xf32> to vector<16xf32>
      %mul3A_42 = arith.constant 64 : i32
      %mul3A_43 = arith.muli %scan3A_14, %mul3A_42 : i32
      %add3A_44 = arith.constant 16 : i32
      %add3A_45 = arith.addi %mul3A_43, %add3A_44 : i32
      %get3A_46 = arith.index_cast %add3A_45 : i32 to index
      %get3A_47 = tpu.vector_load %arg11[%get3A_46] {strides = array<i32>} : memref<512xf32, #tpu.memory_space<vmem>>, vector<16xf32>,
      %get3A_48 = vector.shape_cast %get3A_47 : vector<16xf32> to vector<16xf32>
      %mul3A_49 = arith.constant 64 : i32
      %mul3A_50 = arith.muli %scan3A_14, %mul3A_49 : i32
      %add3A_51 = arith.constant 16 : i32
      %add3A_52 = arith.addi %mul3A_50, %add3A_51 : i32
      %get3A_53 = arith.index_cast %add3A_52 : i32 to index
      %get3A_54 = tpu.vector_load %arg12[%get3A_53] {strides = array<i32>} : memref<512xf32, #tpu.memory_space<vmem>>, vector<16xf32>,
      %get3A_55 = vector.shape_cast %get3A_54 : vector<16xf32> to vector<16xf32>
      %mul3A_56 = arith.constant 64 : i32
      %mul3A_57 = arith.muli %scan3A_14, %mul3A_56 : i32
      %add3A_58 = arith.constant 32 : i32
      %add3A_59 = arith.addi %mul3A_57, %add3A_58 : i32
      %get3A_60 = arith.index_cast %add3A_59 : i32 to index
      %get3A_61 = tpu.vector_load %arg10[%get3A_60] {strides = array<i32>} : memref<512xf32, #tpu.memory_space<vmem>>, vector<16xf32>,
      %get3A_62 = vector.shape_cast %get3A_61 : vector<16xf32> to vector<16xf32>
      %mul3A_63 = arith.constant 64 : i32
      %mul3A_64 = arith.muli %scan3A_14, %mul3A_63 : i32
      %add3A_65 = arith.constant 32 : i32
      %add3A_66 = arith.addi %mul3A_64, %add3A_65 : i32
      %get3A_67 = arith.index_cast %add3A_66 : i32 to index
      %get3A_68 = tpu.vector_load %arg11[%get3A_67] {strides = array<i32>} : memref<512xf32, #tpu.memory_space<vmem>>, vector<16xf32>,
      %get3A_69 = vector.shape_cast %get3A_68 : vector<16xf32> to vector<16xf32>
      %mul3A_70 = arith.constant 64 : i32
      %mul3A_71 = arith.muli %scan3A_14, %mul3A_70 : i32
      %add3A_72 = arith.constant 32 : i32
      %add3A_73 = arith.addi %mul3A_71, %add3A_72 : i32
      %get3A_74 = arith.index_cast %add3A_73 : i32 to index
      %get3A_75 = tpu.vector_load %arg12[%get3A_74] {strides = array<i32>} : memref<512xf32, #tpu.memory_space<vmem>>, vector<16xf32>,
      %get3A_76 = vector.shape_cast %get3A_75 : vector<16xf32> to vector<16xf32>
      %mul3A_77 = arith.constant 64 : i32
      %mul3A_78 = arith.muli %scan3A_14, %mul3A_77 : i32
      %add3A_79 = arith.constant 48 : i32
      %add3A_80 = arith.addi %mul3A_78, %add3A_79 : i32
      %get3A_81 = arith.index_cast %add3A_80 : i32 to index
      %get3A_82 = tpu.vector_load %arg10[%get3A_81] {strides = array<i32>} : memref<512xf32, #tpu.memory_space<vmem>>, vector<16xf32>,
      %get3A_83 = vector.shape_cast %get3A_82 : vector<16xf32> to vector<16xf32>
      %mul3A_84 = arith.constant 64 : i32
      %mul3A_85 = arith.muli %scan3A_14, %mul3A_84 : i32
      %add3A_86 = arith.constant 48 : i32
      %add3A_87 = arith.addi %mul3A_85, %add3A_86 : i32
      %get3A_88 = arith.index_cast %add3A_87 : i32 to index
      %get3A_89 = tpu.vector_load %arg11[%get3A_88] {strides = array<i32>} : memref<512xf32, #tpu.memory_space<vmem>>, vector<16xf32>,
      %get3A_90 = vector.shape_cast %get3A_89 : vector<16xf32> to vector<16xf32>
      %mul3A_91 = arith.constant 64 : i32
      %mul3A_92 = arith.muli %scan3A_14, %mul3A_91 : i32
      %add3A_93 = arith.constant 48 : i32
      %add3A_94 = arith.addi %mul3A_92, %add3A_93 : i32
      %get3A_95 = arith.index_cast %add3A_94 : i32 to index
      %get3A_96 = tpu.vector_load %arg12[%get3A_95] {strides = array<i32>} : memref<512xf32, #tpu.memory_space<vmem>>, vector<16xf32>,
      %get3A_97 = vector.shape_cast %get3A_96 : vector<16xf32> to vector<16xf32>
      %broadcast_in_dim3A = arith.constant 0x7F800000 : f32
      %broadcast_in_dim3A_98 = vector.broadcast %broadcast_in_dim3A : f32 to vector<16xf32>
      %broadcast_in_dim3A_99 = arith.constant 0 : i32
      %broadcast_in_dim3A_100 = vector.broadcast %broadcast_in_dim3A_99 : i32 to vector<16xi32>
      %scan3A_101 = arith.constant 0 : i32
      %scan3A_102 = arith.constant 512 : i32
      %scan3A_103 = arith.addi %scan3A_101, %scan3A_102 : i32
      %scan3A_104 = arith.constant 4 : i32
      %scan3A_105:8 = scf.for %scan3A_138 = %scan3A_101 to %scan3A_103 step %scan3A_104 iter_args(%scan3A_139 = %broadcast_in_dim3A_98, %scan3A_140 = %broadcast_in_dim3A_98, %scan3A_141 = %broadcast_in_dim3A_98, %scan3A_142 = %broadcast_in_dim3A_98, %scan3A_143 = %broadcast_in_dim3A_100, %scan3A_144 = %broadcast_in_dim3A_100, %scan3A_145 = %broadcast_in_dim3A_100, %scan3A_146 = %broadcast_in_dim3A_100) -> (vector<16xf32>, vector<16xf32>, vector<16xf32>, vector<16xf32>, vector<16xi32>, vector<16xi32>, vector<16xi32>, vector<16xi32>)  : i32 {
        %mul3A_147 = arith.constant 16 : i32
        %mul3A_148 = arith.muli %scan3A_138, %mul3A_147 : i32
        %get3A_149 = arith.index_cast %mul3A_148 : i32 to index
        %get3A_150 = tpu.vector_load %arg13[%get3A_149] {strides = array<i32>} : memref<8192xf32, #tpu.memory_space<vmem>>, vector<16xf32>,
        %get3A_151 = vector.shape_cast %get3A_150 : vector<16xf32> to vector<16xf32>
        %mul3A_152 = arith.constant 16 : i32
        %mul3A_153 = arith.muli %scan3A_138, %mul3A_152 : i32
        %get3A_154 = arith.index_cast %mul3A_153 : i32 to index
        %get3A_155 = tpu.vector_load %arg14[%get3A_154] {strides = array<i32>} : memref<8192xf32, #tpu.memory_space<vmem>>, vector<16xf32>,
        %get3A_156 = vector.shape_cast %get3A_155 : vector<16xf32> to vector<16xf32>
        %mul3A_157 = arith.constant 16 : i32
        %mul3A_158 = arith.muli %scan3A_138, %mul3A_157 : i32
        %get3A_159 = arith.index_cast %mul3A_158 : i32 to index
        %get3A_160 = tpu.vector_load %arg15[%get3A_159] {strides = array<i32>} : memref<8192xf32, #tpu.memory_space<vmem>>, vector<16xf32>,
        %get3A_161 = vector.shape_cast %get3A_160 : vector<16xf32> to vector<16xf32>
        %mul3A_162 = arith.constant 16 : i32
        %mul3A_163 = arith.muli %scan3A_138, %mul3A_162 : i32
        %get3A_164 = arith.index_cast %mul3A_163 : i32 to index
        %get3A_165 = tpu.vector_load %arg16[%get3A_164] {strides = array<i32>} : memref<8192xf32, #tpu.memory_space<vmem>>, vector<16xf32>,
        %get3A_166 = vector.shape_cast %get3A_165 : vector<16xf32> to vector<16xf32>
        %mul3A_167 = arith.mulf %get3A_151, %get3A_20 : vector<16xf32>
        %add3A_168 = arith.addf %get3A_166, %mul3A_167 : vector<16xf32>
        %mul3A_169 = arith.mulf %get3A_156, %get3A_27 : vector<16xf32>
        %add3A_170 = arith.addf %add3A_168, %mul3A_169 : vector<16xf32>
        %mul3A_171 = arith.mulf %get3A_161, %get3A_34 : vector<16xf32>
        %add3A_172 = arith.addf %add3A_170, %mul3A_171 : vector<16xf32>
        %lt3A = arith.cmpf olt, %add3A_172, %scan3A_139 : vector<16xf32>
        %select_n3A = arith.select %lt3A, %add3A_172, %scan3A_139 : vector<16xi1>, vector<16xf32>
        %broadcast_in_dim3A_173 = vector.broadcast %scan3A_138 : i32 to vector<16xi32>
        %select_n3A_174 = arith.select %lt3A, %broadcast_in_dim3A_173, %scan3A_143 : vector<16xi1>, vector<16xi32>
        %mul3A_175 = arith.mulf %get3A_151, %get3A_41 : vector<16xf32>
        %add3A_176 = arith.addf %get3A_166, %mul3A_175 : vector<16xf32>
        %mul3A_177 = arith.mulf %get3A_156, %get3A_48 : vector<16xf32>
        %add3A_178 = arith.addf %add3A_176, %mul3A_177 : vector<16xf32>
        %mul3A_179 = arith.mulf %get3A_161, %get3A_55 : vector<16xf32>
        %add3A_180 = arith.addf %add3A_178, %mul3A_179 : vector<16xf32>
        %lt3A_181 = arith.cmpf olt, %add3A_180, %scan3A_140 : vector<16xf32>
        %select_n3A_182 = arith.select %lt3A_181, %add3A_180, %scan3A_140 : vector<16xi1>, vector<16xf32>
        %broadcast_in_dim3A_183 = vector.broadcast %scan3A_138 : i32 to vector<16xi32>
        %select_n3A_184 = arith.select %lt3A_181, %broadcast_in_dim3A_183, %scan3A_144 : vector<16xi1>, vector<16xi32>
        %mul3A_185 = arith.mulf %get3A_151, %get3A_62 : vector<16xf32>
        %add3A_186 = arith.addf %get3A_166, %mul3A_185 : vector<16xf32>
        %mul3A_187 = arith.mulf %get3A_156, %get3A_69 : vector<16xf32>
        %add3A_188 = arith.addf %add3A_186, %mul3A_187 : vector<16xf32>
        %mul3A_189 = arith.mulf %get3A_161, %get3A_76 : vector<16xf32>
        %add3A_190 = arith.addf %add3A_188, %mul3A_189 : vector<16xf32>
        %lt3A_191 = arith.cmpf olt, %add3A_190, %scan3A_141 : vector<16xf32>
        %select_n3A_192 = arith.select %lt3A_191, %add3A_190, %scan3A_141 : vector<16xi1>, vector<16xf32>
        %broadcast_in_dim3A_193 = vector.broadcast %scan3A_138 : i32 to vector<16xi32>
        %select_n3A_194 = arith.select %lt3A_191, %broadcast_in_dim3A_193, %scan3A_145 : vector<16xi1>, vector<16xi32>
        %mul3A_195 = arith.mulf %get3A_151, %get3A_83 : vector<16xf32>
        %add3A_196 = arith.addf %get3A_166, %mul3A_195 : vector<16xf32>
        %mul3A_197 = arith.mulf %get3A_156, %get3A_90 : vector<16xf32>
        %add3A_198 = arith.addf %add3A_196, %mul3A_197 : vector<16xf32>
        %mul3A_199 = arith.mulf %get3A_161, %get3A_97 : vector<16xf32>
        %add3A_200 = arith.addf %add3A_198, %mul3A_199 : vector<16xf32>
        %lt3A_201 = arith.cmpf olt, %add3A_200, %scan3A_142 : vector<16xf32>
        %select_n3A_202 = arith.select %lt3A_201, %add3A_200, %scan3A_142 : vector<16xi1>, vector<16xf32>
        %broadcast_in_dim3A_203 = vector.broadcast %scan3A_138 : i32 to vector<16xi32>
        %select_n3A_204 = arith.select %lt3A_201, %broadcast_in_dim3A_203, %scan3A_146 : vector<16xi1>, vector<16xi32>
        %scan3A_205 = arith.constant 1 : i32
        %scan3A_206 = arith.addi %scan3A_138, %scan3A_205 : i32
        %mul3A_207 = arith.constant 16 : i32
        %mul3A_208 = arith.muli %scan3A_206, %mul3A_207 : i32
        %get3A_209 = arith.index_cast %mul3A_208 : i32 to index
        %get3A_210 = tpu.vector_load %arg13[%get3A_209] {strides = array<i32>} : memref<8192xf32, #tpu.memory_space<vmem>>, vector<16xf32>,
        %get3A_211 = vector.shape_cast %get3A_210 : vector<16xf32> to vector<16xf32>
        %mul3A_212 = arith.constant 16 : i32
        %mul3A_213 = arith.muli %scan3A_206, %mul3A_212 : i32
        %get3A_214 = arith.index_cast %mul3A_213 : i32 to index
        %get3A_215 = tpu.vector_load %arg14[%get3A_214] {strides = array<i32>} : memref<8192xf32, #tpu.memory_space<vmem>>, vector<16xf32>,
        %get3A_216 = vector.shape_cast %get3A_215 : vector<16xf32> to vector<16xf32>
        %mul3A_217 = arith.constant 16 : i32
        %mul3A_218 = arith.muli %scan3A_206, %mul3A_217 : i32
        %get3A_219 = arith.index_cast %mul3A_218 : i32 to index
        %get3A_220 = tpu.vector_load %arg15[%get3A_219] {strides = array<i32>} : memref<8192xf32, #tpu.memory_space<vmem>>, vector<16xf32>,
        %get3A_221 = vector.shape_cast %get3A_220 : vector<16xf32> to vector<16xf32>
        %mul3A_222 = arith.constant 16 : i32
        %mul3A_223 = arith.muli %scan3A_206, %mul3A_222 : i32
        %get3A_224 = arith.index_cast %mul3A_223 : i32 to index
        %get3A_225 = tpu.vector_load %arg16[%get3A_224] {strides = array<i32>} : memref<8192xf32, #tpu.memory_space<vmem>>, vector<16xf32>,
        %get3A_226 = vector.shape_cast %get3A_225 : vector<16xf32> to vector<16xf32>
        %mul3A_227 = arith.mulf %get3A_211, %get3A_20 : vector<16xf32>
        %add3A_228 = arith.addf %get3A_226, %mul3A_227 : vector<16xf32>
        %mul3A_229 = arith.mulf %get3A_216, %get3A_27 : vector<16xf32>
        %add3A_230 = arith.addf %add3A_228, %mul3A_229 : vector<16xf32>
        %mul3A_231 = arith.mulf %get3A_221, %get3A_34 : vector<16xf32>
        %add3A_232 = arith.addf %add3A_230, %mul3A_231 : vector<16xf32>
        %lt3A_233 = arith.cmpf olt, %add3A_232, %select_n3A : vector<16xf32>
        %select_n3A_234 = arith.select %lt3A_233, %add3A_232, %select_n3A : vector<16xi1>, vector<16xf32>
        %broadcast_in_dim3A_235 = vector.broadcast %scan3A_206 : i32 to vector<16xi32>
        %select_n3A_236 = arith.select %lt3A_233, %broadcast_in_dim3A_235, %select_n3A_174 : vector<16xi1>, vector<16xi32>
        %mul3A_237 = arith.mulf %get3A_211, %get3A_41 : vector<16xf32>
        %add3A_238 = arith.addf %get3A_226, %mul3A_237 : vector<16xf32>
        %mul3A_239 = arith.mulf %get3A_216, %get3A_48 : vector<16xf32>
        %add3A_240 = arith.addf %add3A_238, %mul3A_239 : vector<16xf32>
        %mul3A_241 = arith.mulf %get3A_221, %get3A_55 : vector<16xf32>
        %add3A_242 = arith.addf %add3A_240, %mul3A_241 : vector<16xf32>
        %lt3A_243 = arith.cmpf olt, %add3A_242, %select_n3A_182 : vector<16xf32>
        %select_n3A_244 = arith.select %lt3A_243, %add3A_242, %select_n3A_182 : vector<16xi1>, vector<16xf32>
        %broadcast_in_dim3A_245 = vector.broadcast %scan3A_206 : i32 to vector<16xi32>
        %select_n3A_246 = arith.select %lt3A_243, %broadcast_in_dim3A_245, %select_n3A_184 : vector<16xi1>, vector<16xi32>
        %mul3A_247 = arith.mulf %get3A_211, %get3A_62 : vector<16xf32>
        %add3A_248 = arith.addf %get3A_226, %mul3A_247 : vector<16xf32>
        %mul3A_249 = arith.mulf %get3A_216, %get3A_69 : vector<16xf32>
        %add3A_250 = arith.addf %add3A_248, %mul3A_249 : vector<16xf32>
        %mul3A_251 = arith.mulf %get3A_221, %get3A_76 : vector<16xf32>
        %add3A_252 = arith.addf %add3A_250, %mul3A_251 : vector<16xf32>
        %lt3A_253 = arith.cmpf olt, %add3A_252, %select_n3A_192 : vector<16xf32>
        %select_n3A_254 = arith.select %lt3A_253, %add3A_252, %select_n3A_192 : vector<16xi1>, vector<16xf32>
        %broadcast_in_dim3A_255 = vector.broadcast %scan3A_206 : i32 to vector<16xi32>
        %select_n3A_256 = arith.select %lt3A_253, %broadcast_in_dim3A_255, %select_n3A_194 : vector<16xi1>, vector<16xi32>
        %mul3A_257 = arith.mulf %get3A_211, %get3A_83 : vector<16xf32>
        %add3A_258 = arith.addf %get3A_226, %mul3A_257 : vector<16xf32>
        %mul3A_259 = arith.mulf %get3A_216, %get3A_90 : vector<16xf32>
        %add3A_260 = arith.addf %add3A_258, %mul3A_259 : vector<16xf32>
        %mul3A_261 = arith.mulf %get3A_221, %get3A_97 : vector<16xf32>
        %add3A_262 = arith.addf %add3A_260, %mul3A_261 : vector<16xf32>
        %lt3A_263 = arith.cmpf olt, %add3A_262, %select_n3A_202 : vector<16xf32>
        %select_n3A_264 = arith.select %lt3A_263, %add3A_262, %select_n3A_202 : vector<16xi1>, vector<16xf32>
        %broadcast_in_dim3A_265 = vector.broadcast %scan3A_206 : i32 to vector<16xi32>
        %select_n3A_266 = arith.select %lt3A_263, %broadcast_in_dim3A_265, %select_n3A_204 : vector<16xi1>, vector<16xi32>
        %scan3A_267 = arith.constant 2 : i32
        %scan3A_268 = arith.addi %scan3A_138, %scan3A_267 : i32
        %mul3A_269 = arith.constant 16 : i32
        %mul3A_270 = arith.muli %scan3A_268, %mul3A_269 : i32
        %get3A_271 = arith.index_cast %mul3A_270 : i32 to index
        %get3A_272 = tpu.vector_load %arg13[%get3A_271] {strides = array<i32>} : memref<8192xf32, #tpu.memory_space<vmem>>, vector<16xf32>,
        %get3A_273 = vector.shape_cast %get3A_272 : vector<16xf32> to vector<16xf32>
        %mul3A_274 = arith.constant 16 : i32
        %mul3A_275 = arith.muli %scan3A_268, %mul3A_274 : i32
        %get3A_276 = arith.index_cast %mul3A_275 : i32 to index
        %get3A_277 = tpu.vector_load %arg14[%get3A_276] {strides = array<i32>} : memref<8192xf32, #tpu.memory_space<vmem>>, vector<16xf32>,
        %get3A_278 = vector.shape_cast %get3A_277 : vector<16xf32> to vector<16xf32>
        %mul3A_279 = arith.constant 16 : i32
        %mul3A_280 = arith.muli %scan3A_268, %mul3A_279 : i32
        %get3A_281 = arith.index_cast %mul3A_280 : i32 to index
        %get3A_282 = tpu.vector_load %arg15[%get3A_281] {strides = array<i32>} : memref<8192xf32, #tpu.memory_space<vmem>>, vector<16xf32>,
        %get3A_283 = vector.shape_cast %get3A_282 : vector<16xf32> to vector<16xf32>
        %mul3A_284 = arith.constant 16 : i32
        %mul3A_285 = arith.muli %scan3A_268, %mul3A_284 : i32
        %get3A_286 = arith.index_cast %mul3A_285 : i32 to index
        %get3A_287 = tpu.vector_load %arg16[%get3A_286] {strides = array<i32>} : memref<8192xf32, #tpu.memory_space<vmem>>, vector<16xf32>,
        %get3A_288 = vector.shape_cast %get3A_287 : vector<16xf32> to vector<16xf32>
        %mul3A_289 = arith.mulf %get3A_273, %get3A_20 : vector<16xf32>
        %add3A_290 = arith.addf %get3A_288, %mul3A_289 : vector<16xf32>
        %mul3A_291 = arith.mulf %get3A_278, %get3A_27 : vector<16xf32>
        %add3A_292 = arith.addf %add3A_290, %mul3A_291 : vector<16xf32>
        %mul3A_293 = arith.mulf %get3A_283, %get3A_34 : vector<16xf32>
        %add3A_294 = arith.addf %add3A_292, %mul3A_293 : vector<16xf32>
        %lt3A_295 = arith.cmpf olt, %add3A_294, %select_n3A_234 : vector<16xf32>
        %select_n3A_296 = arith.select %lt3A_295, %add3A_294, %select_n3A_234 : vector<16xi1>, vector<16xf32>
        %broadcast_in_dim3A_297 = vector.broadcast %scan3A_268 : i32 to vector<16xi32>
        %select_n3A_298 = arith.select %lt3A_295, %broadcast_in_dim3A_297, %select_n3A_236 : vector<16xi1>, vector<16xi32>
        %mul3A_299 = arith.mulf %get3A_273, %get3A_41 : vector<16xf32>
        %add3A_300 = arith.addf %get3A_288, %mul3A_299 : vector<16xf32>
        %mul3A_301 = arith.mulf %get3A_278, %get3A_48 : vector<16xf32>
        %add3A_302 = arith.addf %add3A_300, %mul3A_301 : vector<16xf32>
        %mul3A_303 = arith.mulf %get3A_283, %get3A_55 : vector<16xf32>
        %add3A_304 = arith.addf %add3A_302, %mul3A_303 : vector<16xf32>
        %lt3A_305 = arith.cmpf olt, %add3A_304, %select_n3A_244 : vector<16xf32>
        %select_n3A_306 = arith.select %lt3A_305, %add3A_304, %select_n3A_244 : vector<16xi1>, vector<16xf32>
        %broadcast_in_dim3A_307 = vector.broadcast %scan3A_268 : i32 to vector<16xi32>
        %select_n3A_308 = arith.select %lt3A_305, %broadcast_in_dim3A_307, %select_n3A_246 : vector<16xi1>, vector<16xi32>
        %mul3A_309 = arith.mulf %get3A_273, %get3A_62 : vector<16xf32>
        %add3A_310 = arith.addf %get3A_288, %mul3A_309 : vector<16xf32>
        %mul3A_311 = arith.mulf %get3A_278, %get3A_69 : vector<16xf32>
        %add3A_312 = arith.addf %add3A_310, %mul3A_311 : vector<16xf32>
        %mul3A_313 = arith.mulf %get3A_283, %get3A_76 : vector<16xf32>
        %add3A_314 = arith.addf %add3A_312, %mul3A_313 : vector<16xf32>
        %lt3A_315 = arith.cmpf olt, %add3A_314, %select_n3A_254 : vector<16xf32>
        %select_n3A_316 = arith.select %lt3A_315, %add3A_314, %select_n3A_254 : vector<16xi1>, vector<16xf32>
        %broadcast_in_dim3A_317 = vector.broadcast %scan3A_268 : i32 to vector<16xi32>
        %select_n3A_318 = arith.select %lt3A_315, %broadcast_in_dim3A_317, %select_n3A_256 : vector<16xi1>, vector<16xi32>
        %mul3A_319 = arith.mulf %get3A_273, %get3A_83 : vector<16xf32>
        %add3A_320 = arith.addf %get3A_288, %mul3A_319 : vector<16xf32>
        %mul3A_321 = arith.mulf %get3A_278, %get3A_90 : vector<16xf32>
        %add3A_322 = arith.addf %add3A_320, %mul3A_321 : vector<16xf32>
        %mul3A_323 = arith.mulf %get3A_283, %get3A_97 : vector<16xf32>
        %add3A_324 = arith.addf %add3A_322, %mul3A_323 : vector<16xf32>
        %lt3A_325 = arith.cmpf olt, %add3A_324, %select_n3A_264 : vector<16xf32>
        %select_n3A_326 = arith.select %lt3A_325, %add3A_324, %select_n3A_264 : vector<16xi1>, vector<16xf32>
        %broadcast_in_dim3A_327 = vector.broadcast %scan3A_268 : i32 to vector<16xi32>
        %select_n3A_328 = arith.select %lt3A_325, %broadcast_in_dim3A_327, %select_n3A_266 : vector<16xi1>, vector<16xi32>
        %scan3A_329 = arith.constant 3 : i32
        %scan3A_330 = arith.addi %scan3A_138, %scan3A_329 : i32
        %mul3A_331 = arith.constant 16 : i32
        %mul3A_332 = arith.muli %scan3A_330, %mul3A_331 : i32
        %get3A_333 = arith.index_cast %mul3A_332 : i32 to index
        %get3A_334 = tpu.vector_load %arg13[%get3A_333] {strides = array<i32>} : memref<8192xf32, #tpu.memory_space<vmem>>, vector<16xf32>,
        %get3A_335 = vector.shape_cast %get3A_334 : vector<16xf32> to vector<16xf32>
        %mul3A_336 = arith.constant 16 : i32
        %mul3A_337 = arith.muli %scan3A_330, %mul3A_336 : i32
        %get3A_338 = arith.index_cast %mul3A_337 : i32 to index
        %get3A_339 = tpu.vector_load %arg14[%get3A_338] {strides = array<i32>} : memref<8192xf32, #tpu.memory_space<vmem>>, vector<16xf32>,
        %get3A_340 = vector.shape_cast %get3A_339 : vector<16xf32> to vector<16xf32>
        %mul3A_341 = arith.constant 16 : i32
        %mul3A_342 = arith.muli %scan3A_330, %mul3A_341 : i32
        %get3A_343 = arith.index_cast %mul3A_342 : i32 to index
        %get3A_344 = tpu.vector_load %arg15[%get3A_343] {strides = array<i32>} : memref<8192xf32, #tpu.memory_space<vmem>>, vector<16xf32>,
        %get3A_345 = vector.shape_cast %get3A_344 : vector<16xf32> to vector<16xf32>
        %mul3A_346 = arith.constant 16 : i32
        %mul3A_347 = arith.muli %scan3A_330, %mul3A_346 : i32
        %get3A_348 = arith.index_cast %mul3A_347 : i32 to index
        %get3A_349 = tpu.vector_load %arg16[%get3A_348] {strides = array<i32>} : memref<8192xf32, #tpu.memory_space<vmem>>, vector<16xf32>,
        %get3A_350 = vector.shape_cast %get3A_349 : vector<16xf32> to vector<16xf32>
        %mul3A_351 = arith.mulf %get3A_335, %get3A_20 : vector<16xf32>
        %add3A_352 = arith.addf %get3A_350, %mul3A_351 : vector<16xf32>
        %mul3A_353 = arith.mulf %get3A_340, %get3A_27 : vector<16xf32>
        %add3A_354 = arith.addf %add3A_352, %mul3A_353 : vector<16xf32>
        %mul3A_355 = arith.mulf %get3A_345, %get3A_34 : vector<16xf32>
        %add3A_356 = arith.addf %add3A_354, %mul3A_355 : vector<16xf32>
        %lt3A_357 = arith.cmpf olt, %add3A_356, %select_n3A_296 : vector<16xf32>
        %select_n3A_358 = arith.select %lt3A_357, %add3A_356, %select_n3A_296 : vector<16xi1>, vector<16xf32>
        %broadcast_in_dim3A_359 = vector.broadcast %scan3A_330 : i32 to vector<16xi32>
        %select_n3A_360 = arith.select %lt3A_357, %broadcast_in_dim3A_359, %select_n3A_298 : vector<16xi1>, vector<16xi32>
        %mul3A_361 = arith.mulf %get3A_335, %get3A_41 : vector<16xf32>
        %add3A_362 = arith.addf %get3A_350, %mul3A_361 : vector<16xf32>
        %mul3A_363 = arith.mulf %get3A_340, %get3A_48 : vector<16xf32>
        %add3A_364 = arith.addf %add3A_362, %mul3A_363 : vector<16xf32>
        %mul3A_365 = arith.mulf %get3A_345, %get3A_55 : vector<16xf32>
        %add3A_366 = arith.addf %add3A_364, %mul3A_365 : vector<16xf32>
        %lt3A_367 = arith.cmpf olt, %add3A_366, %select_n3A_306 : vector<16xf32>
        %select_n3A_368 = arith.select %lt3A_367, %add3A_366, %select_n3A_306 : vector<16xi1>, vector<16xf32>
        %broadcast_in_dim3A_369 = vector.broadcast %scan3A_330 : i32 to vector<16xi32>
        %select_n3A_370 = arith.select %lt3A_367, %broadcast_in_dim3A_369, %select_n3A_308 : vector<16xi1>, vector<16xi32>
        %mul3A_371 = arith.mulf %get3A_335, %get3A_62 : vector<16xf32>
        %add3A_372 = arith.addf %get3A_350, %mul3A_371 : vector<16xf32>
        %mul3A_373 = arith.mulf %get3A_340, %get3A_69 : vector<16xf32>
        %add3A_374 = arith.addf %add3A_372, %mul3A_373 : vector<16xf32>
        %mul3A_375 = arith.mulf %get3A_345, %get3A_76 : vector<16xf32>
        %add3A_376 = arith.addf %add3A_374, %mul3A_375 : vector<16xf32>
        %lt3A_377 = arith.cmpf olt, %add3A_376, %select_n3A_316 : vector<16xf32>
        %select_n3A_378 = arith.select %lt3A_377, %add3A_376, %select_n3A_316 : vector<16xi1>, vector<16xf32>
        %broadcast_in_dim3A_379 = vector.broadcast %scan3A_330 : i32 to vector<16xi32>
        %select_n3A_380 = arith.select %lt3A_377, %broadcast_in_dim3A_379, %select_n3A_318 : vector<16xi1>, vector<16xi32>
        %mul3A_381 = arith.mulf %get3A_335, %get3A_83 : vector<16xf32>
        %add3A_382 = arith.addf %get3A_350, %mul3A_381 : vector<16xf32>
        %mul3A_383 = arith.mulf %get3A_340, %get3A_90 : vector<16xf32>
        %add3A_384 = arith.addf %add3A_382, %mul3A_383 : vector<16xf32>
        %mul3A_385 = arith.mulf %get3A_345, %get3A_97 : vector<16xf32>
        %add3A_386 = arith.addf %add3A_384, %mul3A_385 : vector<16xf32>
        %lt3A_387 = arith.cmpf olt, %add3A_386, %select_n3A_326 : vector<16xf32>
        %select_n3A_388 = arith.select %lt3A_387, %add3A_386, %select_n3A_326 : vector<16xi1>, vector<16xf32>
        %broadcast_in_dim3A_389 = vector.broadcast %scan3A_330 : i32 to vector<16xi32>
        %select_n3A_390 = arith.select %lt3A_387, %broadcast_in_dim3A_389, %select_n3A_328 : vector<16xi1>, vector<16xi32>
        scf.yield %select_n3A_358, %select_n3A_368, %select_n3A_378, %select_n3A_388, %select_n3A_360, %select_n3A_370, %select_n3A_380, %select_n3A_390 : vector<16xf32>, vector<16xf32>, vector<16xf32>, vector<16xf32>, vector<16xi32>, vector<16xi32>, vector<16xi32>, vector<16xi32>
      }
      %scan3A_106 = arith.constant 512 : i32
      %mul3A_107 = arith.constant 64 : i32
      %mul3A_108 = arith.muli %scan3A_14, %mul3A_107 : i32
      %add3A_109 = arith.constant 0 : i32
      %add3A_110 = arith.addi %mul3A_108, %add3A_109 : i32
      %swap3A = arith.index_cast %add3A_110 : i32 to index
      %swap3A_111 = tpu.vector_load %arg17[%swap3A] {strides = array<i32>} : memref<512xi32, #tpu.memory_space<vmem>>, vector<16xi32>,
      %swap3A_112 = vector.shape_cast %swap3A_111 : vector<16xi32> to vector<16xi32>
      %swap3A_113 = vector.shape_cast %scan3A_105#4 : vector<16xi32> to vector<16xi32>
      tpu.vector_store %arg17[%swap3A], %swap3A_113 {strides = array<i32>} : memref<512xi32, #tpu.memory_space<vmem>>, vector<16xi32>,
      %mul3A_114 = arith.constant 64 : i32
      %mul3A_115 = arith.muli %scan3A_14, %mul3A_114 : i32
      %add3A_116 = arith.constant 16 : i32
      %add3A_117 = arith.addi %mul3A_115, %add3A_116 : i32
      %swap3A_118 = arith.index_cast %add3A_117 : i32 to index
      %swap3A_119 = tpu.vector_load %arg17[%swap3A_118] {strides = array<i32>} : memref<512xi32, #tpu.memory_space<vmem>>, vector<16xi32>,
      %swap3A_120 = vector.shape_cast %swap3A_119 : vector<16xi32> to vector<16xi32>
      %swap3A_121 = vector.shape_cast %scan3A_105#5 : vector<16xi32> to vector<16xi32>
      tpu.vector_store %arg17[%swap3A_118], %swap3A_121 {strides = array<i32>} : memref<512xi32, #tpu.memory_space<vmem>>, vector<16xi32>,
      %mul3A_122 = arith.constant 64 : i32
      %mul3A_123 = arith.muli %scan3A_14, %mul3A_122 : i32
      %add3A_124 = arith.constant 32 : i32
      %add3A_125 = arith.addi %mul3A_123, %add3A_124 : i32
      %swap3A_126 = arith.index_cast %add3A_125 : i32 to index
      %swap3A_127 = tpu.vector_load %arg17[%swap3A_126] {strides = array<i32>} : memref<512xi32, #tpu.memory_space<vmem>>, vector<16xi32>,
      %swap3A_128 = vector.shape_cast %swap3A_127 : vector<16xi32> to vector<16xi32>
      %swap3A_129 = vector.shape_cast %scan3A_105#6 : vector<16xi32> to vector<16xi32>
      tpu.vector_store %arg17[%swap3A_126], %swap3A_129 {strides = array<i32>} : memref<512xi32, #tpu.memory_space<vmem>>, vector<16xi32>,
      %mul3A_130 = arith.constant 64 : i32
      %mul3A_131 = arith.muli %scan3A_14, %mul3A_130 : i32
      %add3A_132 = arith.constant 48 : i32
      %add3A_133 = arith.addi %mul3A_131, %add3A_132 : i32
      %swap3A_134 = arith.index_cast %add3A_133 : i32 to index
      %swap3A_135 = tpu.vector_load %arg17[%swap3A_134] {strides = array<i32>} : memref<512xi32, #tpu.memory_space<vmem>>, vector<16xi32>,
      %swap3A_136 = vector.shape_cast %swap3A_135 : vector<16xi32> to vector<16xi32>
      %swap3A_137 = vector.shape_cast %scan3A_105#7 : vector<16xi32> to vector<16xi32>
      tpu.vector_store %arg17[%swap3A_134], %swap3A_137 {strides = array<i32>} : memref<512xi32, #tpu.memory_space<vmem>>, vector<16xi32>,
    }
    %scan3A_11 = arith.constant 8 : i32
    %mul3A_12 = arith.constant 512 : i32
    %mul3A_13 = arith.muli %add3A, %mul3A_12 : i32
    "tpu.region"() ({
      %run_scoped3A = tpu.sem_alloc : memref<!tpu.dma_semaphore, #tpu.memory_space<semaphore_mem>>
      %dma_start3A = tpu.memref_slice %arg9[%mul3A_13] : memref<16384xi32, #tpu.memory_space<hbm>> -> memref<512xi32, #tpu.memory_space<hbm>>
      %dma_start3A_14 = tpu.memref_slice %arg9[%mul3A_13] : memref<16384xi32, #tpu.memory_space<hbm>> -> memref<512xi32, #tpu.memory_space<hbm>>
      tpu.enqueue_dma source(%arg17 : memref<512xi32, #tpu.memory_space<vmem>>) target(%dma_start3A_14 : memref<512xi32, #tpu.memory_space<hbm>>) target_semaphore(%run_scoped3A : memref<!tpu.dma_semaphore, #tpu.memory_space<semaphore_mem>>)
      %dma_wait3A = tpu.memref_slice %arg9[%mul3A_13] : memref<16384xi32, #tpu.memory_space<hbm>> -> memref<512xi32, #tpu.memory_space<hbm>>
      %dma_wait3A_15 = tpu.memref_slice %arg9[%mul3A_13] : memref<16384xi32, #tpu.memory_space<hbm>> -> memref<512xi32, #tpu.memory_space<hbm>>
      tpu.wait_dma2 semaphore(%run_scoped3A : memref<!tpu.dma_semaphore, #tpu.memory_space<semaphore_mem>>) src(%arg17 : memref<512xi32, #tpu.memory_space<vmem>>) dst(%dma_wait3A_15 : memref<512xi32, #tpu.memory_space<hbm>>)
      tpu.yield
    }) : () -> ()
    return
  }
}

module attributes {stable_mosaic.version = 14 : i64} {
  func.func @_tc_body(%arg0: i32, %arg1: i32, %arg2: memref<1x3x2048xf32, #tpu.memory_space<vmem>>, %arg3: memref<512x4xf32, #tpu.memory_space<vmem>>, %arg4: memref<1x1x1x2048xi32, #tpu.memory_space<vmem>>) attributes {dimension_semantics = [#tpu.dimension_semantics<arbitrary>, #tpu.dimension_semantics<arbitrary>], iteration_bounds = array<i64: 12, 2>, scalar_prefetch = 0 : i64, scratch_operands = 0 : i64, tpu.core_type = #tpu.core_type<tc>, window_params = [{transform_indices = @transform_0, window_bounds = array<i64: 1, 3, 2048>}, {pipeline_mode = #tpu.pipeline_mode<synchronous>, transform_indices = @transform_1, window_bounds = array<i64: 512, 4>}, {transform_indices = @transform_2, window_bounds = array<i64: 1, 1, 1, 2048>}]} {
    %get3A = arith.constant 0 : index
    %get3A_0 = arith.constant 0 : index
    %get3A_1 = arith.constant 0 : index
    %get3A_2 = vector.load %arg2[%get3A, %get3A_0, %get3A_1] : memref<1x3x2048xf32, #tpu.memory_space<vmem>>, vector<1x1x2048xf32>
    %get3A_3 = vector.shape_cast %get3A_2 : vector<1x1x2048xf32> to vector<1x2048xf32>
    %get3A_4 = arith.constant 0 : index
    %get3A_5 = arith.constant 1 : index
    %get3A_6 = arith.constant 0 : index
    %get3A_7 = vector.load %arg2[%get3A_4, %get3A_5, %get3A_6] : memref<1x3x2048xf32, #tpu.memory_space<vmem>>, vector<1x1x2048xf32>
    %get3A_8 = vector.shape_cast %get3A_7 : vector<1x1x2048xf32> to vector<1x2048xf32>
    %get3A_9 = arith.constant 0 : index
    %get3A_10 = arith.constant 2 : index
    %get3A_11 = arith.constant 0 : index
    %get3A_12 = vector.load %arg2[%get3A_9, %get3A_10, %get3A_11] : memref<1x3x2048xf32, #tpu.memory_space<vmem>>, vector<1x1x2048xf32>
    %get3A_13 = vector.shape_cast %get3A_12 : vector<1x1x2048xf32> to vector<1x2048xf32>
    %get3A_14 = arith.constant 0 : index
    %get3A_15 = arith.constant 0 : index
    %get3A_16 = vector.load %arg3[%get3A_14, %get3A_15] : memref<512x4xf32, #tpu.memory_space<vmem>>, vector<512x1xf32>
    %get3A_17 = arith.constant 0 : index
    %get3A_18 = arith.constant 1 : index
    %get3A_19 = vector.load %arg3[%get3A_17, %get3A_18] : memref<512x4xf32, #tpu.memory_space<vmem>>, vector<512x1xf32>
    %get3A_20 = arith.constant 0 : index
    %get3A_21 = arith.constant 2 : index
    %get3A_22 = vector.load %arg3[%get3A_20, %get3A_21] : memref<512x4xf32, #tpu.memory_space<vmem>>, vector<512x1xf32>
    %get3A_23 = arith.constant 0 : index
    %get3A_24 = arith.constant 3 : index
    %get3A_25 = vector.load %arg3[%get3A_23, %get3A_24] : memref<512x4xf32, #tpu.memory_space<vmem>>, vector<512x1xf32>
    %mul3A = vector.broadcast %get3A_16 : vector<512x1xf32> to vector<512x2048xf32>
    %mul3A_26 = vector.broadcast %get3A_3 : vector<1x2048xf32> to vector<512x2048xf32>
    %mul3A_27 = arith.mulf %mul3A, %mul3A_26 : vector<512x2048xf32>
    %add3A = vector.broadcast %get3A_25 : vector<512x1xf32> to vector<512x2048xf32>
    %add3A_28 = arith.addf %add3A, %mul3A_27 : vector<512x2048xf32>
    %mul3A_29 = vector.broadcast %get3A_19 : vector<512x1xf32> to vector<512x2048xf32>
    %mul3A_30 = vector.broadcast %get3A_8 : vector<1x2048xf32> to vector<512x2048xf32>
    %mul3A_31 = arith.mulf %mul3A_29, %mul3A_30 : vector<512x2048xf32>
    %add3A_32 = arith.addf %add3A_28, %mul3A_31 : vector<512x2048xf32>
    %mul3A_33 = vector.broadcast %get3A_22 : vector<512x1xf32> to vector<512x2048xf32>
    %mul3A_34 = vector.broadcast %get3A_13 : vector<1x2048xf32> to vector<512x2048xf32>
    %mul3A_35 = arith.mulf %mul3A_33, %mul3A_34 : vector<512x2048xf32>
    %add3A_36 = arith.addf %add3A_32, %mul3A_35 : vector<512x2048xf32>
    %argmin3A = tpu.reduce_index %add3A_36 {axis = 0 : i32, kind = #tpu.reduction_kind<arg_min>} : vector<512x2048xf32> -> vector<2048xi32>
    %swap3A = arith.constant 0 : index
    %swap3A_37 = arith.constant 0 : index
    %swap3A_38 = arith.constant 0 : index
    %swap3A_39 = arith.constant 0 : index
    %swap3A_40 = vector.load %arg4[%swap3A, %swap3A_37, %swap3A_38, %swap3A_39] : memref<1x1x1x2048xi32, #tpu.memory_space<vmem>>, vector<1x1x1x2048xi32>
    %swap3A_41 = vector.shape_cast %swap3A_40 : vector<1x1x1x2048xi32> to vector<2048xi32>
    %swap3A_42 = vector.shape_cast %argmin3A : vector<2048xi32> to vector<1x1x1x2048xi32>
    tpu.vector_store %arg4[%swap3A, %swap3A_37, %swap3A_38, %swap3A_39], %swap3A_42 {strides = array<i32>} : memref<1x1x1x2048xi32, #tpu.memory_space<vmem>>, vector<1x1x1x2048xi32>,
    return
  }
  func.func @transform_0(%arg0: i32, %arg1: i32) -> (i32, i32, i32) {
    %c0_i32 = arith.constant 0 : i32
    %c0_i32_0 = arith.constant 0 : i32
    return %arg0, %c0_i32, %arg1 : i32, i32, i32
  }
  func.func @transform_1(%arg0: i32, %arg1: i32) -> (i32, i32) {
    %c0_i32 = arith.constant 0 : i32
    %c0_i32_0 = arith.constant 0 : i32
    %c0_i32_1 = arith.constant 0 : i32
    return %c0_i32, %c0_i32_0 : i32, i32
  }
  func.func @transform_2(%arg0: i32, %arg1: i32) -> (i32, i32, i32, i32) {
    %c0_i32 = arith.constant 0 : i32
    %c0_i32_0 = arith.constant 0 : i32
    %c0_i32_1 = arith.constant 0 : i32
    return %arg0, %arg1, %c0_i32, %c0_i32_0 : i32, i32, i32, i32
  }
}

</mosaic_0001>

<sc_bundles>
// kernel: kernel.4.cloned.1.call-start
scs
__scs_entry_jumppad:
0x0: {  	(pc) =	sbr.rel $0x88, $3  }
0x1: {  	(tag) =	ssettag $0x0;
	lr =	simm.s32 $0x1  }
0x2: {  	[smem:$0x3F9F] =	sst lr;
	_ =	strace $0xD0000000  }
0x3: {  	_ = 	snop  }
0x4: {  	_ = 	snop  }
0x5: {  	_ = 	snop  }
0x6: {  	_ = 	snop  }
0x7: {  	_ = 	snop  }
__scs_overlays_trampoline_lowered:
0x8: {  	[smem:$0x3FAE] =	sst s0  }
0x9: {  	[smem:$0x3FAF] =	sst s1  }
0xa: {  	[smem:$0x3FB0] =	sst s2  }
0xb: {  	[smem:$0x3FB1] =	sst s3  }
0xc: {  	[smem:$0x3FB2] =	sst s4  }
0xd: {  	[smem:$0x3FB3] =	sst s5  }
0xe: {  	[smem:$0x3FB4] =	sst s6  }
0xf: {  	[smem:$0x3FB5] =	sst s7  }
0x10: {  	[smem:$0x3FB6] =	sst s8  }
0x11: {  	[smem:$0x3FB7] =	sst s9;
	s0 =	simm.s32 @!p0 $0x0  }
0x12: {  	s1 =	sld [smem:$0x3F9D];
	s0 =	simm.s32 @p0 $0x1  }
0x13: {  	[smem:$0x3FB8] =	sst s0;
	s0 =	simm.s32 @!p1 $0x0  }
0x14: {  	s2 =	sld [smem:$0x3F9C];
	s0 =	simm.s32 @p1 $0x1  }
0x15: {  	[smem:$0x3FB9] =	sst s0;
	s0 =	simm.s32 @!p2 $0x0  }
0x16: {  	s3 =	sld [smem:$0x3FDB];
	s0 =	simm.s32 @p2 $0x1  }
0x17: {  	s4 =	simm.s32 $0x1BF5;
	[smem:$0x3FBB] =	sst s0  }
0x18: {  	s0 =	sld [smem:$0x3F9E];
	_ =	swait.ge [sflag:s4], $0x0  }
0x19: {  	s7 =	sld [smem:$0x3F9F]  }
0x1a: {  	s8 =	sadd.s32 $0xFFFFE003, lr  }
0x1b: {  	s9 =	sadd.s32 $0xFFFFFEF7, lr;
	s5 =	simm.s32 $0xFFFFFFFF;
	p2 =	slt.u32 s8, $0xFFFFF086  }
0x1c: {  	p1 =	slt.u32 s9, $0xF7A;
	s5 =	simm.s32 @!p2 $0x0  }
0x1d: {  	s5 =	simm.s32 @p1 $0x1;
	p0 =	seq.s32 s7, s2  }
0x1e: {  	s7 =	smul.u32 @!p0 $0xF7A, s2;
	p2 =	seq.s32 @!p0 s5, $0x0  }
0x1f: {  	s9 =	smul.u32 $0xF7A, s1;
	s8 =	simm.s32 @!p0 $0x1BF5;
	p2 =	por !p2, p0  }
0x20: {  	[sflag:s8] =	ssyncset.s32 @!p0 $0xFFFFF086;
	s6 =	sadd.s32 @!p0 s3, s7;
	s7 =	simm.s32 @!p0 $0x108  }
0x21: {  	s3 =	sadd.s32 s3, s9;
	s6 =	sadd.s32 @!p0 $0x88, s6;
	s7 =	simm.s32 @p2 $0x1082  }
0x22: {  	[simem:s7], [sflag:s8] =	dma.local @!p0 [hbm:s6], $0xF7A  }
0x23: {  	s9 =	sor.u32 $0xD0000000, s2;
	s6 =	simm.s32 $0x108;
	_ =	swait.ge @!p0 [sflag:s8], $0x0  }
0x24: {  	s3 =	sadd.s32 $0x88, s3;
	s6 =	simm.s32 @!p1 $0x1082;
	[sflag:s4] =	ssyncset.s32 $0xFFFFF086  }
0x25: {  	[simem:s6], [sflag:s4] =	dma.local [hbm:s3], $0xF7A  }
0x26: {  	[smem:$0x3F9F] =	sst s1;
	(tag) =	ssettag s2;
	_ =	strace s9  }
0x27: {  	s1 =	sld [smem:$0x3FAF]  }
0x28: {  	s2 =	sld [smem:$0x3FB0]  }
0x29: {  	s4 =	sld [smem:$0x3FB2]  }
0x2a: {  	p0 =	seq.s32 s5, $0x0;
	s5 =	sld [smem:$0x3FB3]  }
0x2b: {  	s6 =	sld [smem:$0x3FB4]  }
0x2c: {  	s7 =	sld [smem:$0x3FB5]  }
0x2d: {  	s3 =	simm.s32 $0x108;
	s8 =	sld [smem:$0x3FB6]  }
0x2e: {  	s3 =	simm.s32 @!p0 $0x1082;
	s9 =	sld [smem:$0x3FB7]  }
0x2f: {  	lr =	sadd.s32 s0, s3;
	s0 =	sld [smem:$0x3FAE]  }
0x30: {  	s3 =	sld [smem:$0x3FB1]  }
0x31: {  	[smem:$0x3FBA] =	sst s10  }
0x32: {  	s10 =	sld [smem:$0x3FB8];
	_ =	sdelay $0x3  }
0x33: {  	p0 =	seq.s32 s10, $0x1;
	s10 =	sld [smem:$0x3FBA];
	_ =	sdelay $0x3  }
0x34: {  	[smem:$0x3FBA] =	sst s10  }
0x35: {  	s10 =	sld [smem:$0x3FB9];
	_ =	sdelay $0x3  }
0x36: {  	p1 =	seq.s32 s10, $0x1;
	s10 =	sld [smem:$0x3FBA];
	_ =	sdelay $0x3  }
0x37: {  	[smem:$0x3FBA] =	sst s10  }
0x38: {  	s10 =	sld [smem:$0x3FBB]  }
0x39: {  	_ = 	snop;
	(pc) =	sbr.ind lr, $3  }
0x3a: {  	_ = 	snop  }
0x3b: {  	_ = 	snop  }
0x3c: {  	p2 =	seq.s32 s10, $0x1;
	s10 =	sld [smem:$0x3FBA]  }
0x3d: {  	_ =	shalt  }
0x3e: {  	_ =	shalt  }
0x3f: {  	_ =	shalt  }
0x40: {  	_ =	shalt  }
0x41: {  	_ =	shalt  }
0x42: {  	_ =	shalt  }
0x43: {  	_ =	shalt  }
0x44: {  	_ =	shalt  }
0x45: {  	_ =	shalt  }
0x46: {  	_ =	shalt  }
0x47: {  	_ =	shalt  }
0x48: {  	_ =	shalt  }
0x49: {  	_ =	shalt  }
0x4a: {  	_ =	shalt  }
0x4b: {  	_ =	shalt  }
0x4c: {  	_ =	shalt  }
0x4d: {  	_ =	shalt  }
0x4e: {  	_ =	shalt  }
0x4f: {  	_ =	shalt  }
0x50: {  	_ =	shalt  }
0x51: {  	_ =	shalt  }
0x52: {  	_ =	shalt  }
0x53: {  	_ =	shalt  }
0x54: {  	_ =	shalt  }
0x55: {  	_ =	shalt  }
0x56: {  	_ =	shalt  }
0x57: {  	_ =	shalt  }
0x58: {  	_ =	shalt  }
0x59: {  	_ =	shalt  }
0x5a: {  	_ =	shalt  }
0x5b: {  	_ =	shalt  }
0x5c: {  	_ =	shalt  }
0x5d: {  	_ =	shalt  }
0x5e: {  	_ =	shalt  }
0x5f: {  	_ =	shalt  }
0x60: {  	_ =	shalt  }
0x61: {  	_ =	shalt  }
0x62: {  	_ =	shalt  }
0x63: {  	_ =	shalt  }
0x64: {  	_ =	shalt  }
0x65: {  	_ =	shalt  }
0x66: {  	_ =	shalt  }
0x67: {  	_ =	shalt  }
0x68: {  	_ =	shalt  }
0x69: {  	_ =	shalt  }
0x6a: {  	_ =	shalt  }
0x6b: {  	_ =	shalt  }
0x6c: {  	_ =	shalt  }
0x6d: {  	_ =	shalt  }
0x6e: {  	_ =	shalt  }
0x6f: {  	_ =	shalt  }
0x70: {  	_ =	shalt  }
0x71: {  	_ =	shalt  }
0x72: {  	_ =	shalt  }
0x73: {  	_ =	shalt  }
0x74: {  	_ =	shalt  }
0x75: {  	_ =	shalt  }
0x76: {  	_ =	shalt  }
0x77: {  	_ =	shalt  }
0x78: {  	_ =	shalt  }
0x79: {  	_ =	shalt  }
0x7a: {  	_ =	shalt  }
0x7b: {  	_ =	shalt  }
0x7c: {  	_ =	shalt  }
0x7d: {  	_ =	shalt  }
0x7e: {  	_ =	shalt  }
0x7f: {  	_ =	shalt  }
0x80: {  	_ =	shalt  }
0x81: {  	_ =	shalt  }
0x82: {  	_ =	shalt  }
0x83: {  	_ =	shalt  }
0x84: {  	_ =	shalt  }
0x85: {  	_ =	shalt  }
0x86: {  	_ =	shalt  }
0x87: {  	_ =	shalt  }
.Lfunc_end0:
.L_simem_size_0:
called_computation_lowered:
.L_overlay_start_0:
0x88: {  	s2 =	sld [smem:$0x3FD9]  }
0x89: {  	s3 =	sld [smem:$0x3FFE];
	_ =	sdelay $0x1  }
0x8a: {  	s1 =	srdreg.scid  }
0x8b: {  	s0 =	sand.u32 $0x1, s1  }
0x8c: {  	s17 =	sshll.u32 s0, $0xA;
	s2 =	sadd.s32 s3, s2  }
0x8d: {  	s2 =	sadd.s32 s2, s17  }
0x8e: {  	[smem:$0x3FC6] =	sst s2  }
0x8f: {  	_ = 	snop  }
0x90: {  	s2 =	sld [smem:$0x3FD0];
	(tm) =	ssettm $0x1  }
0x91: {  	s18 =	sld [smem:$0x3FFB];
	_ =	sdelay $0x3  }
0x92: {  	_ =	strace s18  }
0x93: {  	s3 =	sld [smem:$0x3FFC];
	_ =	sdelay $0x3  }
0x94: {  	_ =	strace s3  }
0x95: {  	s3 =	sld [smem:$0x3FFD];
	_ =	sdelay $0x3  }
0x96: {  	_ =	strace s3  }
0x97: {  	_ =	strace $0x8FFFFFFF  }
0x98: {  	s19 =	sld [smem:$0x3FDB];
	_ =	sdelay $0x1  }
0x99: {  	s4 =	simm.s32 $_scs_section_size  }
0x9a: {  	s5 =	simm.s32 $_size__tile_overlayer_lowered;
	s6 =	simm.s32 $_tile_overlayer_lowered  }
0x9b: {  	s22 =	simm.s32 $0x1BFF;
	s21 =	sshll.u32 s6, $0x1;
	s3 =	sadd.s32 s4, s19  }
0x9c: {  	s7 =	simm.s32 $0x0;
	s20 =	sshll.u32 s5, $0x1;
	s5 =	sadd.s32 s21, s3  }
0x9d: {  	[timem:s7], [sflag:s22] =	dma.local [hbm:s5], s20  }
0x9e: {  	_ =	swait.ge [sflag:s22], s20  }
0x9f: {  	s4 =	ssub.s32 $0x0, s20;
	[sflag:s22] =	ssyncset.done $0x0  }
0xa0: {  	[sflag:s22] =	ssyncadd.s32 s4;
	_ =	sdelay $0x1  }
0xa1: {  	s23 =	simm.s32 $0x1B8B  }
0xa2: {  	_ =	swait.ge [sflag:s23], $0x1  }
0xa3: {  	[sflag:s23] =	ssyncset.done $0x0  }
0xa4: {  	s25 =	simm.s32 $0x1B8E;
	s24 =	sld [smem:$0x3FFE];
	[sflag:s23] =	ssyncadd.s32 $0xFFFFFFFF  }
0xa5: {  	s26 =	simm.s32 $execute0_lowered;
	[smem:$0x3FD2] =	sst s25  }
0xa6: {  	s5 =	sshll.u32 s26, $0x1;
	_ =	strace $0x80000046;
	[dreg:$0x1] =	wrdreg $0xFFFFFFFF  }
0xa7: {  	s28 =	simm.s32 $_size_execute0_lowered;
	s3 =	sadd.s32 s3, s5;
	[dreg:$0x0] =	wrdreg $0x0  }
0xa8: {  	s5 =	sshll.u32 s28, $0x1;
	[dreg:$0x2] =	wrdreg s3  }
0xa9: {  	[dreg:$0x3] =	wrdreg s5  }
0xaa: {  	[dreg:$0x4] =	wrdreg $0xC0  }
0xab: {  	_ =	task [dreg:s7], $0x5FFFF  }
0xac: {  	[dreg:$0x1] =	wrdreg $0xFFFFFFFF  }
0xad: {  	[dreg:$0x0] =	wrdreg $0x60  }
0xae: {  	[dreg:$0x2] =	wrdreg s24  }
0xaf: {  	[dreg:$0x3] =	wrdreg s2  }
0xb0: {  	[dreg:$0x4] =	wrdreg $0x9  }
0xb1: {  	_ =	task.clear_ibuf [dreg:s7], $0x5FFFF;
	_ =	strace $0x90000046  }
0xb2: {  	s29 =	simm.s32 $0x9;
	_ =	strace $0x80000048  }
0xb3: {  	_ =	swait.ge [sflag:s29], $0x1  }
0xb4: {  	[sflag:s29] =	ssyncadd.s32 $0xFFFFFFFF  }
0xb5: {  	_ =	strace $0x90000048  }
0xb6: {  	_ =	sfence  }
0xb7: {  	s30 =	sld [smem:$0x0];
	_ =	sdelay $0x2  }
0xb8: {  	s31 =	sshll.u32 s1, $0xD;
	s1 =	sshrl.u32 s1, $0x2  }
0xb9: {  	s3 =	sand.u32 $0x4000, s31;
	s1 =	sadd.s32 s1, s30  }
0xba: {  	s0 =	sor.u32 s3, s0;
	s1 =	sshll.u32 s1, $0x11  }
0xbb: {  	s0 =	sor.u32 s1, s0  }
0xbc: {  	s0 =	sadd.s32 $0x8F2B, s0  }
0xbd: {  	[sflag:s0] =	ssyncadd.remote.s32 $0x1  }
0xbe: {  	_ =	sfence.sel $0xFFFF  }
0xbf: {  	[dreg:$0x0] =	wrdreg $0xFFFFFFFF;
	(pc) =	sbr.abs _section_cstart, $3  }
0xc0: {  	[dreg:$0x1] =	wrdreg $0xFFFFFFFF  }
0xc1: {  	_ =	task.clear_ibuf [dreg:s7], $0x2FFFF;
	_ =	strace $0x9FFFFFFF  }
0xc2: {  	(tm) =	ssettm $0x7FFFFFFF  }
0xc3: {  	_ =	shalt  }
tec
execute0_lowered:
.L_overlay_start_1:
0x0: {  	(tag) =	ssettag $0x1  }
0x1: {  	s0 =	rddreg [dreg:$0x0]  }
0x2: {  	s2 =	rddreg [dreg:$0x1];
	s1 =	simm.s32 $0x0  }
0x3: {  	s4 =	srdreg.scid;
	s5 =	stileid.u32;
	s13 =	simm.s32 $0x1  }
0x4: {  	s16 =	simm.s32 $0x6600;
	s17 =	simm.s32 $0x200;
	s18 =	simm.s32 $0x400  }
0x5: {  	s19 =	simm.s32 $0x8600;
	s20 =	simm.s32 $0x0;
	[smem:$0x7FF] =	sst s1  }
0x6: {  	s3 =	sadd.s32 $0x1200, s0;
	s6 =	sand.u32 $0x1, s4;
	s4 =	sadd.s32 $0x1E00, s0  }
0x7: {  	s7 =	sshll.u32 s5, $0x7;
	s5 =	sadd.s32 $0x1A00, s0;
	s8 =	sshll.u32 s6, $0x6  }
0x8: {  	_ =	strace $0x80000047;
	s30 =	ssub.s32 $0x2, s6;
	s9 =	sor.u32 s8, s7  }
0x9: {  	s6 =	sadd.s32 $0x1600, s0;
	s31 =	sshrl.u32 s30, $0x1;
	s0 =	sadd.s32 s9, s0  }
0xa: {  	s11 =	ssub.s32 s30, s31;
	s9 =	sadd.s32 s2, s9;
	s7 =	sadd.s32 $0xA00, s0  }
0xb: {  	s8 =	sadd.s32 $0x200, s0;
	s10 =	sadd.s32 $0x2200, s0;
	s11 =	smax.u32 s11, $0x1  }
.LBB2_1:
0xc: {  	s0 =	simm.s32 $0x600  }
0xd: {  	[tilespmem:s0], [sflag:$0x1] =	stream.linear.gather [hbm4b:s3+s1], $0x2000, $0x38;
	[tilespmem:$0x8800] =	vst v63  }
0xe: {  	_ =	swait.ge [sflag:s13], $0x2000  }
0xf: {  	[sflag:s13] =	ssyncset.done $0x0  }
0x10: {  	s30 =	simm.s32 $0x2600;
	[sflag:s13] =	ssyncadd.s32 $0xFFFFE000  }
0x11: {  	[tilespmem:s30], [sflag:$0x1] =	stream.linear.gather [hbm4b:s4+s1], $0x2000, $0x38;
	[tilespmem:$0x8800] =	vst v63  }
0x12: {  	_ =	swait.ge [sflag:s13], $0x2000  }
0x13: {  	[sflag:s13] =	ssyncset.done $0x0  }
0x14: {  	s31 =	simm.s32 $0x4600;
	[sflag:s13] =	ssyncadd.s32 $0xFFFFE000  }
0x15: {  	[tilespmem:s31], [sflag:$0x1] =	stream.linear.gather [hbm4b:s5+s1], $0x2000, $0x38;
	[tilespmem:$0x8800] =	vst v63  }
0x16: {  	_ =	swait.ge [sflag:s13], $0x2000  }
0x17: {  	[sflag:s13] =	ssyncset.done $0x0  }
0x18: {  	[sflag:s13] =	ssyncadd.s32 $0xFFFFE000  }
0x19: {  	[tilespmem:s16], [sflag:$0x1] =	stream.linear.gather [hbm4b:s6+s1], $0x2000, $0x38;
	[tilespmem:$0x8800] =	vst v63  }
0x1a: {  	_ =	swait.ge [sflag:s13], $0x2000  }
0x1b: {  	[sflag:s13] =	ssyncset.done $0x0  }
0x1c: {  	[sflag:s13] =	ssyncadd.s32 $0xFFFFE000  }
0x1d: {  	[tilespmem:s1], [sflag:$0x1] =	stream.linear.gather [hbm4b:s7+s1], $0x200, $0x38;
	[tilespmem:$0x8800] =	vst v63  }
0x1e: {  	_ =	swait.ge [sflag:s13], $0x200  }
0x1f: {  	[sflag:s13] =	ssyncset.done $0x0  }
0x20: {  	[sflag:s13] =	ssyncadd.s32 $0xFFFFFE00  }
0x21: {  	[tilespmem:s17], [sflag:$0x1] =	stream.linear.gather [hbm4b:s8+s1], $0x200, $0x38;
	[tilespmem:$0x8800] =	vst v63  }
0x22: {  	_ =	swait.ge [sflag:s13], $0x200  }
0x23: {  	[sflag:s13] =	ssyncset.done $0x0  }
0x24: {  	[sflag:s13] =	ssyncadd.s32 $0xFFFFFE00  }
0x25: {  	[tilespmem:s18], [sflag:$0x1] =	stream.linear.gather [hbm4b:s9+s1], $0x200, $0x38;
	[tilespmem:$0x8800] =	vst v63  }
0x26: {  	_ =	swait.ge [sflag:s13], $0x200  }
0x27: {  	[sflag:s13] =	ssyncset.done $0x0  }
0x28: {  	s21 =	simm.s32 $0x0;
	[sflag:s13] =	ssyncadd.s32 $0xFFFFFE00  }
.LBB2_2:
0x29: {  	s22 =	sshll.u32 s21, $0x6  }
0x2a: {  	v0 =	vld [tilespmem:s22+$0x0]  }
0x2b: {  	v1 =	vld [tilespmem:s22+$0x200]  }
0x2c: {  	v2 =	vld [tilespmem:s22+$0x400]  }
0x2d: {  	v3 =	vld [tilespmem:s22+$0x10]  }
0x2e: {  	v4 =	vld [tilespmem:s22+$0x210]  }
0x2f: {  	v5 =	vld [tilespmem:s22+$0x20]  }
0x30: {  	v7 =	vld [tilespmem:s22+$0x220]  }
0x31: {  	v8 =	vld [tilespmem:s22+$0x420]  }
0x32: {  	v6 =	vld [tilespmem:s22+$0x30]  }
0x33: {  	s0 =	simm.s32 $0x620;
	v10 =	vld [tilespmem:s22+$0x430]  }
0x34: {  	s2 =	simm.s32 $0x4620;
	v20 =	vld [tilespmem:s0+$0xFFFFFFF0]  }
0x35: {  	v23 =	vld [tilespmem:s2+$0x10]  }
0x36: {  	s24 =	simm.s32 $0x2620;
	v24 =	vld [tilespmem:s2+$0x0]  }
0x37: {  	v17 =	vld [tilespmem:s24+$0x0]  }
0x38: {  	v25 =	vld [tilespmem:s2+$0xFFFFFFE0]  }
0x39: {  	v27 =	vld [tilespmem:s0+$0x10];
	v21 =	vmul.f32 v20, v6  }
0x3a: {  	v14 =	vld [tilespmem:s2+$0xFFFFFFF0];
	v22 =	vmul.f32 v20, v5;
	v30 =	vmul.f32 v23, v2  }
0x3b: {  	v15 =	vld [tilespmem:s0+$0x0];
	v11 =	vmul.f32 v24, v10;
	v26 =	vmul.f32 v20, v0  }
0x3c: {  	v9 =	vld [tilespmem:s22+$0x230];
	v31 =	vmul.f32 v23, v8;
	v33 =	vmul.f32 v23, v10  }
0x3d: {  	v13 =	vld [tilespmem:s24+$0x10];
	v16 =	vmul.f32 v17, v4;
	v34 =	vmul.f32 v25, v10  }
0x3e: {  	v32 =	vld [tilespmem:s24+$0xFFFFFFE0];
	v28 =	vmul.f32 v17, v1;
	v36 =	vmul.f32 v25, v8  }
0x3f: {  	v43 =	vld [tilespmem:s24+$0xFFFFFFF0];
	v38 =	vmul.f32 v27, v0;
	v40 =	vmul.f32 v14, v10  }
0x40: {  	s23 =	simm.s32 $0x6620;
	v45 =	vld [tilespmem:s0+$0xFFFFFFE0];
	v39 =	vmul.f32 v17, v7;
	v41 =	vmul.f32 v15, v5  }
0x41: {  	v12 =	vld [tilespmem:s23+$0x0];
	v42 =	vmul.f32 v27, v6;
	v60 =	vmul.f32 v17, v9  }
0x42: {  	v37 =	vld [tilespmem:s23+$0xFFFFFFF0];
	v44 =	vmul.f32 v27, v5;
	v46 =	vmul.f32 v13, v7  }
0x43: {  	v29 =	vld [tilespmem:s23+$0x10];
	v47 =	vmul.f32 v32, v1;
	v48 =	vmul.f32 v15, v0  }
0x44: {  	v50 =	vmul.f32 v43, v7;
	v52 =	vmul.f32 v13, v9  }
0x45: {  	v19 =	vimm.f32 $+Inf;
	v53 =	vld [tilespmem:s23+$0xFFFFFFE0];
	v55 =	vmul.f32 v43, v9;
	v56 =	vmul.f32 v45, v0  }
0x46: {  	v18 =	vimm.s32 $0x0;
	v61 =	vmul.f32 v45, v3;
	v20 =	vmul.f32 v20, v3  }
0x47: {  	v57 =	vmul.f32 v45, v5;
	v41 =	vadd.f32 v12, v41;
	v26 =	vadd.f32 v37, v26  }
0x48: {  	v58 =	vmul.f32 v14, v2;
	v42 =	vadd.f32 v29, v42;
	v49 =	vadd.f32 v37, v21  }
0x49: {  	v59 =	vmul.f32 v24, v2;
	v51 =	vadd.f32 v29, v38;
	v35 =	vadd.f32 v37, v22  }
0x4a: {  	v45 =	vmul.f32 v45, v6;
	v48 =	vadd.f32 v12, v48;
	v56 =	vadd.f32 v53, v56  }
0x4b: {  	[tilespmem:$0x1FF40] =	vst v10;
	v21 =	vmul.f32 v15, v3;
	v38 =	vadd.f32 v53, v61;
	v44 =	vadd.f32 v29, v44  }
0x4c: {  	[tilespmem:$0x1FF70] =	vst v6;
	v62 =	vmul.f32 v43, v1;
	v45 =	vadd.f32 v53, v45;
	v6 =	vadd.f32 v53, v57  }
0x4d: {  	v10 =	vld [tilespmem:s22+$0x410];
	[tilespmem:$0x1FF60] =	vst v5;
	v5 =	vmul.f32 v32, v9;
	v37 =	vadd.f32 v37, v20;
	v22 =	vadd.f32 v12, v21  }
0x4e: {  	v53 =	vmul.f32 v24, v8;
	v50 =	vadd.f32 v35, v50;
	v48 =	vadd.f32 v48, v28  }
0x4f: {  	v57 =	vmul.f32 v14, v8;
	v39 =	vadd.f32 v41, v39;
	v47 =	vadd.f32 v56, v47  }
0x50: {  	v28 =	vmul.f32 v32, v4;
	v44 =	vadd.f32 v44, v46;
	v20 =	vadd.f32 v45, v5  }
0x51: {  	v32 =	vmul.f32 v32, v7;
	v42 =	vadd.f32 v42, v52;
	v61 =	vadd.f32 v49, v55  }
0x52: {  	v54 =	vmul.f32 v25, v10;
	v21 =	vmul.f32 v24, v10;
	v63 =	vadd.f32 v38, v28  }
0x53: {  	v25 =	vmul.f32 v25, v2;
	v38 =	vadd.f32 v48, v59;
	v32 =	vadd.f32 v6, v32  }
0x54: {  	v28 =	vmul.f32 v13, v4;
	v24 =	vadd.f32 v44, v31;
	v20 =	vadd.f32 v20, v34  }
0x55: {  	v48 =	vmul.f32 v13, v1;
	v31 =	vadd.f32 v26, v62;
	v59 =	vadd.f32 v39, v53  }
0x56: {  	v26 =	vmul.f32 v23, v10;
	v40 =	vadd.f32 v61, v40;
	v23 =	vadd.f32 v47, v25  }
0x57: {  	[tilespmem:$0x1FF50] =	vst v0;
	v25 =	vadd.f32 v32, v36;
	vm0 =	vlt.f32 v20, v19;
	v0 =	vadd.f32 v51, v48  }
0x58: {  	v31 =	vadd.f32 v31, v58;
	v41 =	vadd.f32 v63, v54;
	v63 =	vmul.f32 v43, v4  }
0x59: {  	s25 =	simm.s32 $0x0;
	v32 =	vsel vm0, v20, v19;
	v20 =	vadd.f32 v50, v57;
	vm1 =	vlt.f32 v25, v19  }
0x5a: {  	[tilespmem:$0x1FF80] =	vst v2;
	v39 =	vsel vm0, s25, v18;
	vm2 =	vlt.f32 v23, v19;
	v25 =	vsel vm1, v25, v19  }
0x5b: {  	[tilespmem:$0x1FF90] =	vst v9;
	v36 =	vadd.f32 v0, v30;
	v30 =	vmul.f32 v27, v3;
	vm0 =	vlt.f32 v20, v25  }
0x5c: {  	s12 =	simm.s32 $0x1;
	[tilespmem:$0x1FFA0] =	vst v7;
	v23 =	vsel vm2, v23, v19;
	v27 =	vsel vm1, s25, v18;
	v25 =	vsel vm0, v20, v25  }
0x5d: {  	[tilespmem:$0x1FFB0] =	vst v1;
	v20 =	vadd.f32 v42, v33;
	v62 =	vsel vm0, s12, v27;
	vm1 =	vlt.f32 v59, v25  }
0x5e: {  	[tilespmem:$0x1FFD0] =	vst v8;
	v42 =	vsel vm1, v59, v25;
	v25 =	vsel vm2, s25, v18;
	vm2 =	vlt.f32 v31, v23  }
0x5f: {  	s2 =	simm.s32 $0x2;
	[tilespmem:$0x1FFE0] =	vst v3;
	vm0 =	vlt.f32 v24, v42;
	v27 =	vsel vm2, v31, v23;
	v31 =	vsel vm2, s12, v25  }
0x60: {  	s30 =	simm.s32 $0x4;
	s31 =	simm.s32 $0x4660;
	s29 =	sor.u32 $0x10, s22;
	[tilespmem:$0x1FFF0] =	vst v4;
	v25 =	vsel vm1, s2, v62;
	v23 =	vadd.f32 v29, v30;
	vm2 =	vlt.f32 v38, v27  }
0x61: {  	s28 =	sor.u32 $0x20, s22;
	s26 =	sor.u32 $0x30, s22;
	s0 =	simm.s32 $0x660;
	[tilespmem:$0x1FFC0] =	vst v10;
	v29 =	vadd.f32 v37, v63;
	vm1 =	vlt.f32 v40, v32;
	v34 =	vsel vm2, s2, v31  }
.LBB2_3:
0x62: {  	v43 =	vld [tilespmem:s0+$0xFFFFFFF0]  }
0x63: {  	v31 =	vsel vm2, v38, v27;
	v27 =	vld [tilespmem:s31+$0x10]  }
0x64: {  	v35 =	vld [tilespmem:$0x1FFC0]  }
0x65: {  	v9 =	vld [tilespmem:$0x1FF70]  }
0x66: {  	v33 =	vld [tilespmem:s31+$0x0]  }
0x67: {  	v2 =	vld [tilespmem:$0x1FF60]  }
0x68: {  	v6 =	vld [tilespmem:$0x1FF80]  }
0x69: {  	v1 =	vld [tilespmem:$0x1FF40]  }
0x6a: {  	v30 =	vld [tilespmem:s0+$0x10]  }
0x6b: {  	v8 =	vld [tilespmem:$0x1FFF0]  }
0x6c: {  	v5 =	vld [tilespmem:$0x1FFB0]  }
0x6d: {  	v10 =	vld [tilespmem:$0x1FFA0]  }
0x6e: {  	vm3 =	vlt.f32 v41, v19;
	s23 =	sadd.s32 $0x40, s23;
	v7 =	vld [tilespmem:$0x1FFE0];
	v17 =	vadd.f32 v22, v16  }
0x6f: {  	s24 =	sadd.s32 $0x40, s24;
	s14 =	sadd.s32 $0x3, s25;
	v42 =	vsel vm0, v24, v42;
	v28 =	vadd.f32 v23, v28;
	v22 =	vsel vm1, s12, v39;
	v23 =	vld [tilespmem:s23+$0x10]  }
0x70: {  	vm2 =	vlt.f32 v36, v31;
	v0 =	vsel vm0, s14, v25;
	v61 =	vld [tilespmem:s24+$0x0];
	v21 =	vadd.f32 v17, v21  }
0x71: {  	v48 =	vld [tilespmem:s24+$0x10];
	v17 =	vsel vm3, v41, v19;
	v14 =	vmul.f32 v14, v35;
	v15 =	vmul.f32 v15, v9  }
0x72: {  	[tilespmem:$0x1FF30] =	vst v0;
	v0 =	vld [tilespmem:$0x1FF50];
	v19 =	vsel vm1, v40, v32;
	v32 =	vmul.f32 v43, v9;
	v39 =	vmul.f32 v43, v2  }
0x73: {  	v31 =	vsel vm2, v36, v31;
	v36 =	vld [tilespmem:s24+$0xFFFFFFE0];
	v62 =	vmul.f32 v27, v6;
	v16 =	vmul.f32 v33, v1  }
0x74: {  	v18 =	vsel vm3, s25, v18;
	v50 =	vld [tilespmem:s23+$0xFFFFFFF0];
	v53 =	vmul.f32 v30, v9;
	v38 =	vmul.f32 v30, v2  }
0x75: {  	v26 =	vadd.f32 v28, v26;
	v28 =	vld [tilespmem:s31+$0xFFFFFFE0];
	v4 =	vmul.f32 v33, v6;
	v25 =	vmul.f32 v61, v8  }
0x76: {  	v34 =	vsel vm2, s14, v34;
	v47 =	vmul.f32 v61, v5;
	v24 =	vmul.f32 v61, v10  }
0x77: {  	v55 =	vmul.f32 v48, v10;
	v14 =	vadd.f32 v29, v14;
	v63 =	vmul.f32 v43, v0  }
0x78: {  	v13 =	vld [tilespmem:$0x1FF90];
	v15 =	vadd.f32 v12, v15;
	v29 =	vmul.f32 v27, v1;
	v57 =	vmul.f32 v36, v5  }
0x79: {  	v53 =	vadd.f32 v23, v53;
	v58 =	vadd.f32 v50, v32;
	v43 =	vmul.f32 v43, v7  }
0x7a: {  	v54 =	vld [tilespmem:s0+$0xFFFFFFE0];
	v46 =	vmul.f32 v28, v1;
	vm1 =	vlt.f32 v14, v17;
	v15 =	vadd.f32 v15, v60  }
0x7b: {  	[tilespmem:$0x1FF20] =	vst v62;
	v62 =	vmul.f32 v28, v35;
	v40 =	vadd.f32 v50, v63;
	v37 =	vsel vm1, v14, v17;
	v14 =	vld [tilespmem:s31+$0xFFFFFFF0]  }
0x7c: {  	v43 =	vadd.f32 v50, v43;
	vm3 =	vlt.f32 v21, v37;
	v41 =	vadd.f32 v15, v11;
	v11 =	vld [tilespmem:$0x1FFD0]  }
0x7d: {  	v18 =	vsel vm1, s12, v18;
	v17 =	vmovc v16;
	v16 =	vmul.f32 v61, v13;
	v15 =	vld [tilespmem:s0+$0x0];
	v45 =	vsel vm3, v21, v37  }
0x7e: {  	v21 =	vmul.f32 v30, v0;
	v18 =	vsel vm3, s2, v18;
	vm0 =	vlt.f32 v41, v19  }
0x7f: {  	v12 =	vld [tilespmem:s23+$0x0];
	v41 =	vsel vm0, v41, v19;
	v19 =	vadd.f32 v50, v39;
	v39 =	vmul.f32 v48, v13  }
0x80: {  	v61 =	vld [tilespmem:s23+$0xFFFFFFE0];
	v60 =	vadd.f32 v23, v21;
	v21 =	vmul.f32 v33, v35;
	v51 =	vmul.f32 v14, v1  }
0x81: {  	v37 =	vld [tilespmem:s24+$0xFFFFFFF0];
	vm1 =	vlt.f32 v26, v45;
	v1 =	vmul.f32 v54, v7;
	v44 =	vmul.f32 v27, v11  }
0x82: {  	v18 =	vsel vm1, s14, v18;
	v49 =	vmul.f32 v28, v11;
	v52 =	vmul.f32 v15, v2  }
0x83: {  	v56 =	vsel vm0, s2, v22;
	v3 =	vmul.f32 v15, v0;
	v22 =	vmul.f32 v15, v7  }
0x84: {  	vm0 =	vlt.f32 v20, v41;
	v0 =	vmul.f32 v54, v0;
	v2 =	vmul.f32 v54, v2  }
0x85: {  	v20 =	vsel vm0, v20, v41;
	v33 =	vmul.f32 v33, v11;
	v1 =	vadd.f32 v61, v1  }
0x86: {  	v59 =	vmul.f32 v37, v10;
	v52 =	vadd.f32 v12, v52;
	v22 =	vadd.f32 v12, v22  }
0x87: {  	v32 =	vadd.f32 v12, v3;
	v3 =	vmul.f32 v14, v6;
	v0 =	vadd.f32 v61, v0  }
0x88: {  	v2 =	vadd.f32 v61, v2;
	v59 =	vadd.f32 v19, v59;
	v19 =	vsel vm1, v26, v45  }
0x89: {  	v26 =	vmul.f32 v54, v9;
	v45 =	vsel vm0, s14, v56;
	v54 =	vmul.f32 v37, v5  }
0x8a: {  	v56 =	vmul.f32 v28, v6;
	v32 =	vadd.f32 v32, v47;
	v52 =	vadd.f32 v52, v24  }
0x8b: {  	v47 =	vmul.f32 v36, v8;
	v0 =	vadd.f32 v0, v57;
	v24 =	vadd.f32 v23, v38  }
0x8c: {  	v28 =	vmul.f32 v48, v8;
	v26 =	vadd.f32 v61, v26;
	v54 =	vadd.f32 v40, v54  }
0x8d: {  	v48 =	vmul.f32 v48, v5;
	v1 =	vadd.f32 v1, v47;
	v24 =	vadd.f32 v24, v55  }
0x8e: {  	v47 =	vmul.f32 v36, v13;
	v38 =	vadd.f32 v32, v4;
	v0 =	vadd.f32 v0, v56  }
0x8f: {  	v36 =	vmul.f32 v36, v10;
	v4 =	vadd.f32 v60, v48;
	v55 =	vadd.f32 v53, v39  }
0x90: {  	v63 =	vmul.f32 v37, v13;
	v57 =	vld [tilespmem:$0x1FF20];
	v33 =	vadd.f32 v52, v33;
	v3 =	vadd.f32 v54, v3  }
0x91: {  	s15 =	smov.u32 s30;
	v26 =	vadd.f32 v26, v47;
	v2 =	vadd.f32 v2, v36;
	vm2 =	vlt.f32 v0, v31  }
0x92: {  	s25 =	smov.u32 s15;
	v24 =	vadd.f32 v24, v44;
	v41 =	vadd.f32 v1, v62;
	v0 =	vsel vm2, v0, v31  }
0x93: {  	v61 =	vsel vm2, s25, v34;
	v50 =	vadd.f32 v26, v46;
	v26 =	vmul.f32 v27, v35  }
0x94: {  	s12 =	sadd.s32 $0x1, s25;
	v2 =	vadd.f32 v2, v49;
	v27 =	vmul.f32 v14, v11;
	vm2 =	vlt.f32 v3, v0  }
0x95: {  	v36 =	vadd.f32 v4, v57;
	v62 =	vsel vm2, s12, v61;
	vm0 =	vlt.f32 v50, v20  }
0x96: {  	vm1 =	vlt.f32 v2, v42;
	v32 =	vsel vm0, v50, v20;
	v20 =	vadd.f32 v59, v27;
	v59 =	vld [tilespmem:$0x1FF30]  }
0x97: {  	v27 =	vadd.f32 v58, v63;
	v56 =	vsel vm1, v2, v42;
	v58 =	vmul.f32 v30, v7  }
0x98: {  	p0 =	slt.u32 s30, $0x1FC;
	v39 =	vsel vm0, s25, v45;
	v63 =	vmul.f32 v37, v8;
	vm0 =	vlt.f32 v20, v56  }
.Ltmp0:
0x99: {  	v40 =	vadd.f32 v27, v51;
	v27 =	vsel vm2, v3, v0;
	v23 =	vadd.f32 v23, v58;
	(pc) =	sbr.rel @p0 .LBB2_3-.Ltmp0, $4  }
0x9a: {  	v1 =	vsel vm0, v20, v56;
	v20 =	vadd.f32 v55, v29;
	vm2 =	vlt.f32 v38, v27  }
0x9b: {  	s2 =	sadd.s32 $0x2, s25;
	v29 =	vadd.f32 v43, v63;
	v4 =	vsel vm1, s25, v59;
	vm1 =	vlt.f32 v33, v1  }
0x9c: {  	v60 =	vmovc v16;
	v34 =	vsel vm2, s2, v62;
	v4 =	vsel vm0, s12, v4;
	v42 =	vsel vm1, v33, v1  }
0x9d: {  	s30 =	sadd.s32 $0x4, s30;
	s31 =	sadd.s32 $0x40, s31;
	s0 =	sadd.s32 $0x40, s0;
	v16 =	vmovc v25;
	v11 =	vmovc v17;
	vm0 =	vlt.f32 v24, v42;
	v25 =	vsel vm1, s2, v4;
	vm1 =	vlt.f32 v40, v32  }
0x9e: {  	v0 =	vld [tilespmem:$0x1FFC0]  }
0x9f: {  	v1 =	vld [tilespmem:$0x1FF70];
	_ =	sdelay $0x4  }
0xa0: {  	v0 =	vmul.f32 v14, v0;
	v1 =	vmul.f32 v15, v1  }
0xa1: {  	vm3 =	vlt.f32 v41, v19;
	v2 =	vadd.f32 v22, v16  }
0xa2: {  	v3 =	vsel vm2, v38, v27;
	v0 =	vadd.f32 v29, v0;
	v1 =	vadd.f32 v12, v1  }
0xa3: {  	v4 =	vadd.f32 v23, v28;
	v58 =	vsel vm1, v40, v32;
	v6 =	vsel vm3, v41, v19  }
0xa4: {  	v2 =	vadd.f32 v2, v21;
	vm10 =	vlt.f32 v0, v6;
	v1 =	vadd.f32 v1, v60  }
0xa5: {  	v5 =	vsel vm3, s25, v18;
	vm11 =	vlt.f32 v36, v3;
	v0 =	vsel vm10, v0, v6  }
0xa6: {  	s0 =	sadd.s32 $0x3, s25;
	s21 =	sadd.s32 $0x1, s21;
	v56 =	vadd.f32 v4, v26;
	vm12 =	vlt.f32 v2, v0;
	v1 =	vadd.f32 v1, v11  }
0xa7: {  	p0 =	sne.s32 s21, $0x8;
	v59 =	vsel vm11, s0, v34;
	v57 =	vsel vm10, s12, v5;
	v0 =	vsel vm12, v2, v0  }
.Ltmp1:
0xa8: {  	v60 =	vsel vm12, s2, v57;
	vm13 =	vlt.f32 v56, v0;
	vm14 =	vlt.f32 v1, v58;
	(pc) =	sbr.rel @p0 .LBB2_2-.Ltmp1, $4  }
0xa9: {  	v61 =	vsel vm1, s12, v39;
	[tilespmem:s22+$0x8600] =	vst v59;
	v0 =	vsel vm13, s0, v60;
	v1 =	vsel vm14, v1, v58  }
0xaa: {  	v62 =	vsel vm0, s0, v25;
	v3 =	vsel vm14, s2, v61;
	vm15 =	vlt.f32 v20, v1;
	[tilespmem:s29+$0x8600] =	vst v0  }
0xab: {  	v63 =	vsel vm15, s0, v3;
	[tilespmem:s28+$0x8600] =	vst v62  }
0xac: {  	[tilespmem:s26+$0x8600] =	vst v63  }
0xad: {  	s20 =	sadd.s32 $0x1, s20  }
0xae: {  	p0 =	sne.s32 s20, s11  }
.Ltmp2:
0xaf: {  	_ = 	snop;
	(pc) =	sbr.rel @p0 .LBB2_1-.Ltmp2, $4  }
0xb0: {  	[hbm4b:s10+s1] =	stream.linear.scatter [tilespmem:s19], [sflag:$0x1], $0x200, $0x38;
	[tilespmem:$0x8800] =	vst v63  }
0xb1: {  	_ =	swait.ge [sflag:s13], $0x200  }
0xb2: {  	[sflag:s13] =	ssyncset.done $0x0  }
0xb3: {  	[sflag:s13] =	ssyncadd.s32 $0xFFFFFE00  }
0xb4: {  	_ =	sfence.sel $0x180000  }
0xb5: {  	[bflag:$0x0] =	sbarrier.arrive $0xFFFF  }
0xb6: {  	_ =	strace $0x90000047  }
0xb7: {  	s0 =	stileid.u32;
	[bflag:$0x2] =	sbarrier.arrive $0xFFFF  }
0xb8: {  	p0 =	sne.s32 s0, $0x0;
	s0 =	rddreg [dreg:$0x2]  }
0xb9: {  	s0 =	sadd.s32 @!p0 $0x100000, s0  }
0xba: {  	[sflag:s0] =	ssyncadd.tile.s32 @!p0 $0x1;
	_ =	shalt  }
.Lfunc_end2:
_tile_overlayer_lowered:
.L_overlay_start_2:
0xbb: {  	(tag) =	ssettag $0x2  }
0xbc: {  	s0 =	rddreg [dreg:$0x0];
	s2 =	stileid.u32  }
0xbd: {  	s1 =	rddreg [dreg:$0x1];
	p0 =	sne.s32 s2, $0x0  }
0xbe: {  	s3 =	rddreg [dreg:$0x2];
	[bflag:$0x3] =	sbarrier.arrive $0xFFFF;
	s2 =	simm.s32 @!p0 $0x1C01  }
0xbf: {  	[timem:s3], [sflag:s2] =	dma.local @!p0 [hbm:s0], s1  }
0xc0: {  	s0 =	simm.s32 @!p0 $0x1  }
0xc1: {  	_ =	swait.ge @!p0 [sflag:s0], s1  }
0xc2: {  	s1 =	ssub.s32 @!p0 $0x0, s1;
	[sflag:s0] =	ssyncset.done @!p0 $0x0  }
0xc3: {  	[sflag:s0] =	ssyncadd.s32 @!p0 s1  }
0xc4: {  	[bflag:$0x3] =	sbarrier.arrive $0xFFFF  }
0xc5: {  	_ =	shalt  }

</sc_bundles>
